<compile_context>
chip_gen: v7x
topology: tpu7x:2x2x1
jax: 0.10.2.dev20260603
libtpu: 0.0.44.dev20260713+nightly
codegen_flags: <defaults>
</compile_context>

<pallas_src>
import functools

import jax
import jax.numpy as jnp
import numpy as np
from jax import lax
from jax.experimental import pallas as pl
from jax.experimental.pallas import tpu as pltpu
from jax.experimental.pallas import tpu_sc as plsc

_LANES = 16
_L2 = 32
_NC = 2
_NS = 16
_NW = _NC * _NS
_K = 128


def _matmul_block(x_ref, w_ref, b_ref, out_ref):
    out_ref[...] = (lax.dot_general(
        x_ref[...], w_ref[...], (((1,), (1,)), ((), ())),
        preferred_element_type=jnp.float32) + b_ref[...]
    ).astype(jnp.bfloat16)


def _add_block(p_ref, out_ref):
    out_ref[...] = (p_ref[0].astype(jnp.float32)
                    + p_ref[1].astype(jnp.float32))


def _feature_perm(d):
    perm = np.empty((d,), dtype=np.int32)
    for j in range(d // _L2):
        for t in range(_LANES):
            perm[_L2 * j + 2 * t] = _L2 * j + t
            perm[_L2 * j + 2 * t + 1] = _L2 * j + _LANES + t
    return perm


def _make_scatter(n_pad, d, ep):
    per_tile = ep // _NW
    blocks = per_tile // _K
    nsub = d // _L2
    k8 = _K * nsub
    sub_rows = n_pad * nsub
    sub_per_tile = sub_rows // _NS
    mesh = plsc.VectorSubcoreMesh(core_axis_name="c", subcore_axis_name="s")

    @functools.partial(
        pl.kernel,
        out_type=jax.ShapeDtypeStruct((_NC, n_pad, d), jnp.bfloat16),
        mesh=mesh,
        compiler_params=pltpu.CompilerParams(use_tc_tiling_on_sc=False,
                                             needs_layout_passes=False),
        scratch_types=[
            pltpu.VMEM((_K,), jnp.int32),
            pltpu.VMEM((k8,), jnp.int32),
            pltpu.VMEM((_K * _LANES,), jnp.float32),
            pltpu.VMEM((_K, d), jnp.bfloat16),
            pltpu.VMEM((k8, _L2), jnp.bfloat16),
            pltpu.VMEM_SHARED((sub_rows, _L2), jnp.bfloat16),
            pltpu.SemaphoreType.DMA,
        ],
    )
    def scatter(support_hbm, src_hbm, dst4_hbm, w_hbm, out_hbm,
                src_v, dst4_v, w_v, rows_v, rows8_v, acc, sem):
        cid = lax.axis_index("c")
        sid = lax.axis_index("s")
        ebase = (cid * _NS + sid) * per_tile
        rbase = sid * sub_per_tile

        def zero_row(r, carry):
            rows8_v[r, :] = jnp.zeros((_L2,), jnp.bfloat16)
            return carry
        lax.fori_loop(0, k8, zero_row, 0)
        for i in range(sub_per_tile // k8):
            pltpu.sync_copy(rows8_v.at[pl.ds(0, k8)],
                            acc.at[pl.ds(rbase + i * k8, k8)])
        plsc.subcore_barrier()

        def block_body(blk, carry):
            eb = pl.multiple_of(ebase + blk * _K, _K)
            pltpu.sync_copy(src_hbm.at[pl.ds(eb, _K)], src_v)
            pltpu.sync_copy(
                dst4_hbm.at[pl.ds(pl.multiple_of(eb * nsub, k8), k8)], dst4_v)
            pltpu.sync_copy(
                w_hbm.at[pl.ds(pl.multiple_of(eb * _LANES, _K * _LANES),
                               _K * _LANES)], w_v)
            pltpu.async_copy(support_hbm.at[src_v], rows_v, sem).wait()

            def edge_body(e, c2):
                wv = w_v[pl.ds(pl.multiple_of(e * _LANES, _LANES), _LANES)]
                e4 = e * nsub
                for j in range(nsub):
                    v = rows_v[e, pl.ds(j * _L2, _L2)]
                    a, b2 = plsc.unpack(v, format=plsc.PackFormat.INTERLEAVED)
                    rows8_v[e4 + j, :] = plsc.pack(
                        a * wv, b2 * wv, format=plsc.PackFormat.INTERLEAVED)
                return c2
            lax.fori_loop(0, _K, edge_body, 0)

            pltpu.sync_copy(rows8_v, acc.at[dst4_v], add=True)
            return carry
        lax.fori_loop(0, blocks, block_body, 0)

        plsc.subcore_barrier()
        rowbase = sid * (n_pad // _NS)
        rows_per_chunk = k8 // nsub
        for i in range(sub_per_tile // k8):
            pltpu.sync_copy(acc.at[pl.ds(rbase + i * k8, k8)], rows8_v)

            def repack_row(r, carry):
                r4 = r * nsub
                for j in range(nsub):
                    rows_v[r, pl.ds(j * _L2, _L2)] = rows8_v[r4 + j, :]
                return carry
            lax.fori_loop(0, rows_per_chunk, repack_row, 0)
            pltpu.sync_copy(
                rows_v.at[pl.ds(0, rows_per_chunk)],
                out_hbm.at[cid, pl.ds(rowbase + i * rows_per_chunk,
                                      rows_per_chunk)])

    return scatter


def kernel(input, edge_index, edge_weight, W, b):
    n, d_in = input.shape
    d_out = W.shape[0]
    e = edge_weight.shape[0]
    assert d_in % _LANES == 0 and d_out % _L2 == 0
    n_pad = -(-n // (_NS * _K)) * (_NS * _K)

    perm = _feature_perm(d_out)
    inv = np.argsort(perm)
    W_p = W[jnp.asarray(perm)]
    b_p = b[jnp.asarray(perm)]

    rb = 1000
    grid = (n // rb,)
    support = pl.pallas_call(
        _matmul_block,
        grid=grid,
        in_specs=[pl.BlockSpec((rb, d_in), lambda i: (i, 0)),
                  pl.BlockSpec((d_out, d_in), lambda i: (0, 0)),
                  pl.BlockSpec((1, d_out), lambda i: (0, 0))],
        out_specs=pl.BlockSpec((rb, d_out), lambda i: (i, 0)),
        out_shape=jax.ShapeDtypeStruct((n, d_out), jnp.bfloat16),
    )(input, W_p, b_p.reshape(1, d_out))

    chunk = _NW * _K
    ep = ((e + chunk - 1) // chunk) * chunk
    pad = ep - e
    src = jnp.concatenate(
        [edge_index[1].astype(jnp.int32), jnp.zeros((pad,), jnp.int32)])
    dst = jnp.concatenate(
        [edge_index[0].astype(jnp.int32), jnp.zeros((pad,), jnp.int32)])
    w = jnp.concatenate(
        [edge_weight.astype(jnp.float32), jnp.zeros((pad,), jnp.float32)])
    w = jnp.broadcast_to(w[:, None], (ep, _LANES)).reshape(ep * _LANES)
    nsub = d_out // _L2
    dst4 = (dst[:, None] * nsub + jnp.arange(nsub, dtype=jnp.int32)
            ).reshape(ep * nsub)

    partials = _make_scatter(n_pad, d_out, ep)(support, src, dst4, w)

    out_p = pl.pallas_call(
        _add_block,
        grid=grid,
        in_specs=[pl.BlockSpec((_NC, rb, d_out), lambda i: (0, i, 0))],
        out_specs=pl.BlockSpec((rb, d_out), lambda i: (i, 0)),
        out_shape=jax.ShapeDtypeStruct((n, d_out), jnp.float32),
    )(partials)
    return out_p[:, jnp.asarray(inv)]

# --- scband reference (transcript-rebuilt; emitter-appended) ---
"""Pipeline reference for scband-graph-convolution-16071767622285 (READ-ONLY COPY).

The authoritative reference and input builder live on the scoring server;
editing this copy changes nothing except your own understanding.
"""

import jax, jax.numpy as jnp
import numpy as np

N = 10000
E = 320000
D_IN = 128
D_OUT = 128


def setup_inputs(seed: int = 0) -> dict:
    key = jax.random.key(seed)
    k1, k2, k3, k4 = jax.random.split(key, 4)
    x = jax.random.normal(k1, (N, D_IN), dtype=jnp.float32)
    edge_index = jax.random.randint(k2, (2, E), 0, N, dtype=jnp.int64)
    edge_weight = jax.random.uniform(k3, (E,), dtype=jnp.float32)
    # nn.Linear(input_size, output_size) params: W [out, in], b [out]
    W = jax.random.normal(k4, (D_OUT, D_IN), dtype=jnp.float32) * (1.0 / np.sqrt(D_IN))
    b = jnp.zeros((D_OUT,), dtype=jnp.float32)
    return {"input": x, "edge_index": edge_index, "edge_weight": edge_weight, "W": W, "b": b}


def reference(input, edge_index, edge_weight, W, b):
    # support = self.fc(input)
    support = input @ W.T + b
    # output = torch.sparse.mm(propagation_adj, support)
    # propagation_adj is sparse [N, N] in COO form: row=edge_index[0] (dst), col=edge_index[1] (src),
    # values=edge_weight. output[i] = sum_j A[i, j] * support[j]
    dst = edge_index[0]
    src = edge_index[1]
    msgs = edge_weight[:, None] * jnp.take(support, src, axis=0)
    output = jax.ops.segment_sum(msgs, dst, num_segments=N)
    return output

if __name__ == "__main__":
    import jax
    _d = setup_inputs()
    print(jax.jit(kernel)(*tuple(_d.values())))

</pallas_src>

<mosaic_0001>
#map = affine_map<(d0, d1) -> (0, 0)>
#map1 = affine_map<(d0, d1) -> (0)>
#map2 = affine_map<(d0, d1) -> (0, 0, 0)>
module attributes {stable_mosaic.version = 14 : i64} {
  func.func @scatter(%arg0: i32, %arg1: i32, %arg2: memref<10000x128xbf16, #tpu.memory_space<hbm>>, %arg3: memref<323584xi32, #tpu.memory_space<hbm>>, %arg4: memref<1294336xi32, #tpu.memory_space<hbm>>, %arg5: memref<5177344xf32, #tpu.memory_space<hbm>>, %arg6: memref<2x10240x128xbf16, #tpu.memory_space<hbm>>, %arg7: memref<128xi32, #tpu.memory_space<vmem>>, %arg8: memref<512xi32, #tpu.memory_space<vmem>>, %arg9: memref<2048xf32, #tpu.memory_space<vmem>>, %arg10: memref<128x128xbf16, #tpu.memory_space<vmem>>, %arg11: memref<512x32xbf16, #tpu.memory_space<vmem>>, %arg12: memref<40960x32xbf16, #tpu.memory_space<vmem_shared>>, %arg13: memref<!tpu.dma_semaphore, #tpu.memory_space<semaphore_mem>>) attributes {dimension_semantics = [#tpu.dimension_semantics<core_parallel>, #tpu.dimension_semantics<subcore_parallel>], iteration_bounds = array<i64: 2, 16>, scalar_prefetch = 0 : i64, scratch_operands = 7 : i64, tpu.core_type = #tpu.core_type<sc_vector_subcore>, window_params = [{transform_indices = #map}, {transform_indices = #map1}, {transform_indices = #map1}, {transform_indices = #map1}, {transform_indices = #map2}]} {
    %mul3A = arith.constant 16 : i32
    %mul3A_0 = arith.muli %arg0, %mul3A : i32
    %add3A = arith.addi %mul3A_0, %arg1 : i32
    %mul3A_1 = arith.constant 10112 : i32
    %mul3A_2 = arith.muli %add3A, %mul3A_1 : i32
    %mul3A_3 = arith.constant 2560 : i32
    %mul3A_4 = arith.muli %arg1, %mul3A_3 : i32
    %scan3A = arith.constant 0 : i32
    %scan3A_5 = arith.constant 0 : i32
    %scan3A_6 = arith.constant 512 : i32
    %scan3A_7 = arith.addi %scan3A_5, %scan3A_6 : i32
    %scan3A_8 = arith.constant 1 : i32
    scf.for %scan3A_79 = %scan3A_5 to %scan3A_7 step %scan3A_8  : i32 {
      %broadcast_in_dim3A = arith.constant 0.000000e+00 : bf16
      %broadcast_in_dim3A_80 = vector.broadcast %broadcast_in_dim3A : bf16 to vector<32xbf16>
      %swap3A = arith.index_cast %scan3A_79 : i32 to index
      %swap3A_81 = arith.constant 0 : index
      %swap3A_82 = tpu.vector_load %arg11[%swap3A, %swap3A_81] {strides = array<i32>} : memref<512x32xbf16, #tpu.memory_space<vmem>>, vector<32xbf16>,
      tpu.vector_store %arg11[%swap3A, %swap3A_81], %broadcast_in_dim3A_80 {strides = array<i32>} : memref<512x32xbf16, #tpu.memory_space<vmem>>, vector<32xbf16>,
    }
    %scan3A_9 = arith.constant 512 : i32
    %add3A_10 = arith.constant 0 : i32
    %add3A_11 = arith.addi %mul3A_4, %add3A_10 : i32
    "tpu.region"() ({
      %run_scoped3A = tpu.sem_alloc : memref<!tpu.dma_semaphore, #tpu.memory_space<semaphore_mem>>
      %dma_start3A = arith.constant 0 : i32
      %dma_start3A_79 = arith.constant 0 : i32
      %dma_start3A_80 = tpu.memref_slice %arg11[%dma_start3A, %dma_start3A_79] : memref<512x32xbf16, #tpu.memory_space<vmem>> -> memref<512x32xbf16, #tpu.memory_space<vmem>>
      %dma_start3A_81 = arith.constant 0 : i32
      %dma_start3A_82 = tpu.memref_slice %arg12[%add3A_11, %dma_start3A_81] : memref<40960x32xbf16, #tpu.memory_space<vmem_shared>> -> memref<512x32xbf16, #tpu.memory_space<vmem_shared>>
      %dma_start3A_83 = arith.constant 0 : i32
      %dma_start3A_84 = tpu.memref_slice %arg12[%add3A_11, %dma_start3A_83] : memref<40960x32xbf16, #tpu.memory_space<vmem_shared>> -> memref<512x32xbf16, #tpu.memory_space<vmem_shared>>
      %dma_start3A_85 = arith.constant 0 : i32
      %dma_start3A_86 = arith.constant 0 : i32
      %dma_start3A_87 = tpu.memref_slice %arg11[%dma_start3A_85, %dma_start3A_86] : memref<512x32xbf16, #tpu.memory_space<vmem>> -> memref<512x32xbf16, #tpu.memory_space<vmem>>
      tpu.enqueue_dma source(%dma_start3A_87 : memref<512x32xbf16, #tpu.memory_space<vmem>>) target(%dma_start3A_84 : memref<512x32xbf16, #tpu.memory_space<vmem_shared>>) target_semaphore(%run_scoped3A : memref<!tpu.dma_semaphore, #tpu.memory_space<semaphore_mem>>)
      %dma_wait3A = arith.constant 0 : i32
      %dma_wait3A_88 = arith.constant 0 : i32
      %dma_wait3A_89 = tpu.memref_slice %arg11[%dma_wait3A, %dma_wait3A_88] : memref<512x32xbf16, #tpu.memory_space<vmem>> -> memref<512x32xbf16, #tpu.memory_space<vmem>>
      %dma_wait3A_90 = arith.constant 0 : i32
      %dma_wait3A_91 = tpu.memref_slice %arg12[%add3A_11, %dma_wait3A_90] : memref<40960x32xbf16, #tpu.memory_space<vmem_shared>> -> memref<512x32xbf16, #tpu.memory_space<vmem_shared>>
      %dma_wait3A_92 = arith.constant 0 : i32
      %dma_wait3A_93 = tpu.memref_slice %arg12[%add3A_11, %dma_wait3A_92] : memref<40960x32xbf16, #tpu.memory_space<vmem_shared>> -> memref<512x32xbf16, #tpu.memory_space<vmem_shared>>
      %dma_wait3A_94 = arith.constant 0 : i32
      %dma_wait3A_95 = arith.constant 0 : i32
      %dma_wait3A_96 = tpu.memref_slice %arg11[%dma_wait3A_94, %dma_wait3A_95] : memref<512x32xbf16, #tpu.memory_space<vmem>> -> memref<512x32xbf16, #tpu.memory_space<vmem>>
      tpu.wait_dma2 semaphore(%run_scoped3A : memref<!tpu.dma_semaphore, #tpu.memory_space<semaphore_mem>>) src(%dma_wait3A_96 : memref<512x32xbf16, #tpu.memory_space<vmem>>) dst(%dma_wait3A_93 : memref<512x32xbf16, #tpu.memory_space<vmem_shared>>)
      tpu.yield
    }) : () -> ()
    %add3A_12 = arith.constant 512 : i32
    %add3A_13 = arith.addi %mul3A_4, %add3A_12 : i32
    "tpu.region"() ({
      %run_scoped3A = tpu.sem_alloc : memref<!tpu.dma_semaphore, #tpu.memory_space<semaphore_mem>>
      %dma_start3A = arith.constant 0 : i32
      %dma_start3A_79 = arith.constant 0 : i32
      %dma_start3A_80 = tpu.memref_slice %arg11[%dma_start3A, %dma_start3A_79] : memref<512x32xbf16, #tpu.memory_space<vmem>> -> memref<512x32xbf16, #tpu.memory_space<vmem>>
      %dma_start3A_81 = arith.constant 0 : i32
      %dma_start3A_82 = tpu.memref_slice %arg12[%add3A_13, %dma_start3A_81] : memref<40960x32xbf16, #tpu.memory_space<vmem_shared>> -> memref<512x32xbf16, #tpu.memory_space<vmem_shared>>
      %dma_start3A_83 = arith.constant 0 : i32
      %dma_start3A_84 = tpu.memref_slice %arg12[%add3A_13, %dma_start3A_83] : memref<40960x32xbf16, #tpu.memory_space<vmem_shared>> -> memref<512x32xbf16, #tpu.memory_space<vmem_shared>>
      %dma_start3A_85 = arith.constant 0 : i32
      %dma_start3A_86 = arith.constant 0 : i32
      %dma_start3A_87 = tpu.memref_slice %arg11[%dma_start3A_85, %dma_start3A_86] : memref<512x32xbf16, #tpu.memory_space<vmem>> -> memref<512x32xbf16, #tpu.memory_space<vmem>>
      tpu.enqueue_dma source(%dma_start3A_87 : memref<512x32xbf16, #tpu.memory_space<vmem>>) target(%dma_start3A_84 : memref<512x32xbf16, #tpu.memory_space<vmem_shared>>) target_semaphore(%run_scoped3A : memref<!tpu.dma_semaphore, #tpu.memory_space<semaphore_mem>>)
      %dma_wait3A = arith.constant 0 : i32
      %dma_wait3A_88 = arith.constant 0 : i32
      %dma_wait3A_89 = tpu.memref_slice %arg11[%dma_wait3A, %dma_wait3A_88] : memref<512x32xbf16, #tpu.memory_space<vmem>> -> memref<512x32xbf16, #tpu.memory_space<vmem>>
      %dma_wait3A_90 = arith.constant 0 : i32
      %dma_wait3A_91 = tpu.memref_slice %arg12[%add3A_13, %dma_wait3A_90] : memref<40960x32xbf16, #tpu.memory_space<vmem_shared>> -> memref<512x32xbf16, #tpu.memory_space<vmem_shared>>
      %dma_wait3A_92 = arith.constant 0 : i32
      %dma_wait3A_93 = tpu.memref_slice %arg12[%add3A_13, %dma_wait3A_92] : memref<40960x32xbf16, #tpu.memory_space<vmem_shared>> -> memref<512x32xbf16, #tpu.memory_space<vmem_shared>>
      %dma_wait3A_94 = arith.constant 0 : i32
      %dma_wait3A_95 = arith.constant 0 : i32
      %dma_wait3A_96 = tpu.memref_slice %arg11[%dma_wait3A_94, %dma_wait3A_95] : memref<512x32xbf16, #tpu.memory_space<vmem>> -> memref<512x32xbf16, #tpu.memory_space<vmem>>
      tpu.wait_dma2 semaphore(%run_scoped3A : memref<!tpu.dma_semaphore, #tpu.memory_space<semaphore_mem>>) src(%dma_wait3A_96 : memref<512x32xbf16, #tpu.memory_space<vmem>>) dst(%dma_wait3A_93 : memref<512x32xbf16, #tpu.memory_space<vmem_shared>>)
      tpu.yield
    }) : () -> ()
    %add3A_14 = arith.constant 1024 : i32
    %add3A_15 = arith.addi %mul3A_4, %add3A_14 : i32
    "tpu.region"() ({
      %run_scoped3A = tpu.sem_alloc : memref<!tpu.dma_semaphore, #tpu.memory_space<semaphore_mem>>
      %dma_start3A = arith.constant 0 : i32
      %dma_start3A_79 = arith.constant 0 : i32
      %dma_start3A_80 = tpu.memref_slice %arg11[%dma_start3A, %dma_start3A_79] : memref<512x32xbf16, #tpu.memory_space<vmem>> -> memref<512x32xbf16, #tpu.memory_space<vmem>>
      %dma_start3A_81 = arith.constant 0 : i32
      %dma_start3A_82 = tpu.memref_slice %arg12[%add3A_15, %dma_start3A_81] : memref<40960x32xbf16, #tpu.memory_space<vmem_shared>> -> memref<512x32xbf16, #tpu.memory_space<vmem_shared>>
      %dma_start3A_83 = arith.constant 0 : i32
      %dma_start3A_84 = tpu.memref_slice %arg12[%add3A_15, %dma_start3A_83] : memref<40960x32xbf16, #tpu.memory_space<vmem_shared>> -> memref<512x32xbf16, #tpu.memory_space<vmem_shared>>
      %dma_start3A_85 = arith.constant 0 : i32
      %dma_start3A_86 = arith.constant 0 : i32
      %dma_start3A_87 = tpu.memref_slice %arg11[%dma_start3A_85, %dma_start3A_86] : memref<512x32xbf16, #tpu.memory_space<vmem>> -> memref<512x32xbf16, #tpu.memory_space<vmem>>
      tpu.enqueue_dma source(%dma_start3A_87 : memref<512x32xbf16, #tpu.memory_space<vmem>>) target(%dma_start3A_84 : memref<512x32xbf16, #tpu.memory_space<vmem_shared>>) target_semaphore(%run_scoped3A : memref<!tpu.dma_semaphore, #tpu.memory_space<semaphore_mem>>)
      %dma_wait3A = arith.constant 0 : i32
      %dma_wait3A_88 = arith.constant 0 : i32
      %dma_wait3A_89 = tpu.memref_slice %arg11[%dma_wait3A, %dma_wait3A_88] : memref<512x32xbf16, #tpu.memory_space<vmem>> -> memref<512x32xbf16, #tpu.memory_space<vmem>>
      %dma_wait3A_90 = arith.constant 0 : i32
      %dma_wait3A_91 = tpu.memref_slice %arg12[%add3A_15, %dma_wait3A_90] : memref<40960x32xbf16, #tpu.memory_space<vmem_shared>> -> memref<512x32xbf16, #tpu.memory_space<vmem_shared>>
      %dma_wait3A_92 = arith.constant 0 : i32
      %dma_wait3A_93 = tpu.memref_slice %arg12[%add3A_15, %dma_wait3A_92] : memref<40960x32xbf16, #tpu.memory_space<vmem_shared>> -> memref<512x32xbf16, #tpu.memory_space<vmem_shared>>
      %dma_wait3A_94 = arith.constant 0 : i32
      %dma_wait3A_95 = arith.constant 0 : i32
      %dma_wait3A_96 = tpu.memref_slice %arg11[%dma_wait3A_94, %dma_wait3A_95] : memref<512x32xbf16, #tpu.memory_space<vmem>> -> memref<512x32xbf16, #tpu.memory_space<vmem>>
      tpu.wait_dma2 semaphore(%run_scoped3A : memref<!tpu.dma_semaphore, #tpu.memory_space<semaphore_mem>>) src(%dma_wait3A_96 : memref<512x32xbf16, #tpu.memory_space<vmem>>) dst(%dma_wait3A_93 : memref<512x32xbf16, #tpu.memory_space<vmem_shared>>)
      tpu.yield
    }) : () -> ()
    %add3A_16 = arith.constant 1536 : i32
    %add3A_17 = arith.addi %mul3A_4, %add3A_16 : i32
    "tpu.region"() ({
      %run_scoped3A = tpu.sem_alloc : memref<!tpu.dma_semaphore, #tpu.memory_space<semaphore_mem>>
      %dma_start3A = arith.constant 0 : i32
      %dma_start3A_79 = arith.constant 0 : i32
      %dma_start3A_80 = tpu.memref_slice %arg11[%dma_start3A, %dma_start3A_79] : memref<512x32xbf16, #tpu.memory_space<vmem>> -> memref<512x32xbf16, #tpu.memory_space<vmem>>
      %dma_start3A_81 = arith.constant 0 : i32
      %dma_start3A_82 = tpu.memref_slice %arg12[%add3A_17, %dma_start3A_81] : memref<40960x32xbf16, #tpu.memory_space<vmem_shared>> -> memref<512x32xbf16, #tpu.memory_space<vmem_shared>>
      %dma_start3A_83 = arith.constant 0 : i32
      %dma_start3A_84 = tpu.memref_slice %arg12[%add3A_17, %dma_start3A_83] : memref<40960x32xbf16, #tpu.memory_space<vmem_shared>> -> memref<512x32xbf16, #tpu.memory_space<vmem_shared>>
      %dma_start3A_85 = arith.constant 0 : i32
      %dma_start3A_86 = arith.constant 0 : i32
      %dma_start3A_87 = tpu.memref_slice %arg11[%dma_start3A_85, %dma_start3A_86] : memref<512x32xbf16, #tpu.memory_space<vmem>> -> memref<512x32xbf16, #tpu.memory_space<vmem>>
      tpu.enqueue_dma source(%dma_start3A_87 : memref<512x32xbf16, #tpu.memory_space<vmem>>) target(%dma_start3A_84 : memref<512x32xbf16, #tpu.memory_space<vmem_shared>>) target_semaphore(%run_scoped3A : memref<!tpu.dma_semaphore, #tpu.memory_space<semaphore_mem>>)
      %dma_wait3A = arith.constant 0 : i32
      %dma_wait3A_88 = arith.constant 0 : i32
      %dma_wait3A_89 = tpu.memref_slice %arg11[%dma_wait3A, %dma_wait3A_88] : memref<512x32xbf16, #tpu.memory_space<vmem>> -> memref<512x32xbf16, #tpu.memory_space<vmem>>
      %dma_wait3A_90 = arith.constant 0 : i32
      %dma_wait3A_91 = tpu.memref_slice %arg12[%add3A_17, %dma_wait3A_90] : memref<40960x32xbf16, #tpu.memory_space<vmem_shared>> -> memref<512x32xbf16, #tpu.memory_space<vmem_shared>>
      %dma_wait3A_92 = arith.constant 0 : i32
      %dma_wait3A_93 = tpu.memref_slice %arg12[%add3A_17, %dma_wait3A_92] : memref<40960x32xbf16, #tpu.memory_space<vmem_shared>> -> memref<512x32xbf16, #tpu.memory_space<vmem_shared>>
      %dma_wait3A_94 = arith.constant 0 : i32
      %dma_wait3A_95 = arith.constant 0 : i32
      %dma_wait3A_96 = tpu.memref_slice %arg11[%dma_wait3A_94, %dma_wait3A_95] : memref<512x32xbf16, #tpu.memory_space<vmem>> -> memref<512x32xbf16, #tpu.memory_space<vmem>>
      tpu.wait_dma2 semaphore(%run_scoped3A : memref<!tpu.dma_semaphore, #tpu.memory_space<semaphore_mem>>) src(%dma_wait3A_96 : memref<512x32xbf16, #tpu.memory_space<vmem>>) dst(%dma_wait3A_93 : memref<512x32xbf16, #tpu.memory_space<vmem_shared>>)
      tpu.yield
    }) : () -> ()
    %add3A_18 = arith.constant 2048 : i32
    %add3A_19 = arith.addi %mul3A_4, %add3A_18 : i32
    "tpu.region"() ({
      %run_scoped3A = tpu.sem_alloc : memref<!tpu.dma_semaphore, #tpu.memory_space<semaphore_mem>>
      %dma_start3A = arith.constant 0 : i32
      %dma_start3A_79 = arith.constant 0 : i32
      %dma_start3A_80 = tpu.memref_slice %arg11[%dma_start3A, %dma_start3A_79] : memref<512x32xbf16, #tpu.memory_space<vmem>> -> memref<512x32xbf16, #tpu.memory_space<vmem>>
      %dma_start3A_81 = arith.constant 0 : i32
      %dma_start3A_82 = tpu.memref_slice %arg12[%add3A_19, %dma_start3A_81] : memref<40960x32xbf16, #tpu.memory_space<vmem_shared>> -> memref<512x32xbf16, #tpu.memory_space<vmem_shared>>
      %dma_start3A_83 = arith.constant 0 : i32
      %dma_start3A_84 = tpu.memref_slice %arg12[%add3A_19, %dma_start3A_83] : memref<40960x32xbf16, #tpu.memory_space<vmem_shared>> -> memref<512x32xbf16, #tpu.memory_space<vmem_shared>>
      %dma_start3A_85 = arith.constant 0 : i32
      %dma_start3A_86 = arith.constant 0 : i32
      %dma_start3A_87 = tpu.memref_slice %arg11[%dma_start3A_85, %dma_start3A_86] : memref<512x32xbf16, #tpu.memory_space<vmem>> -> memref<512x32xbf16, #tpu.memory_space<vmem>>
      tpu.enqueue_dma source(%dma_start3A_87 : memref<512x32xbf16, #tpu.memory_space<vmem>>) target(%dma_start3A_84 : memref<512x32xbf16, #tpu.memory_space<vmem_shared>>) target_semaphore(%run_scoped3A : memref<!tpu.dma_semaphore, #tpu.memory_space<semaphore_mem>>)
      %dma_wait3A = arith.constant 0 : i32
      %dma_wait3A_88 = arith.constant 0 : i32
      %dma_wait3A_89 = tpu.memref_slice %arg11[%dma_wait3A, %dma_wait3A_88] : memref<512x32xbf16, #tpu.memory_space<vmem>> -> memref<512x32xbf16, #tpu.memory_space<vmem>>
      %dma_wait3A_90 = arith.constant 0 : i32
      %dma_wait3A_91 = tpu.memref_slice %arg12[%add3A_19, %dma_wait3A_90] : memref<40960x32xbf16, #tpu.memory_space<vmem_shared>> -> memref<512x32xbf16, #tpu.memory_space<vmem_shared>>
      %dma_wait3A_92 = arith.constant 0 : i32
      %dma_wait3A_93 = tpu.memref_slice %arg12[%add3A_19, %dma_wait3A_92] : memref<40960x32xbf16, #tpu.memory_space<vmem_shared>> -> memref<512x32xbf16, #tpu.memory_space<vmem_shared>>
      %dma_wait3A_94 = arith.constant 0 : i32
      %dma_wait3A_95 = arith.constant 0 : i32
      %dma_wait3A_96 = tpu.memref_slice %arg11[%dma_wait3A_94, %dma_wait3A_95] : memref<512x32xbf16, #tpu.memory_space<vmem>> -> memref<512x32xbf16, #tpu.memory_space<vmem>>
      tpu.wait_dma2 semaphore(%run_scoped3A : memref<!tpu.dma_semaphore, #tpu.memory_space<semaphore_mem>>) src(%dma_wait3A_96 : memref<512x32xbf16, #tpu.memory_space<vmem>>) dst(%dma_wait3A_93 : memref<512x32xbf16, #tpu.memory_space<vmem_shared>>)
      tpu.yield
    }) : () -> ()
    %barrier3A = arith.constant 0 : index
    tpu.barrier barrier_id(%barrier3A)
    %scan3A_20 = arith.constant 0 : i32
    %scan3A_21 = arith.constant 0 : i32
    %scan3A_22 = arith.constant 79 : i32
    %scan3A_23 = arith.addi %scan3A_21, %scan3A_22 : i32
    %scan3A_24 = arith.constant 1 : i32
    scf.for %scan3A_79 = %scan3A_21 to %scan3A_23 step %scan3A_24  : i32 {
      %mul3A_80 = arith.constant 128 : i32
      %mul3A_81 = arith.muli %scan3A_79, %mul3A_80 : i32
      %add3A_82 = arith.addi %mul3A_2, %mul3A_81 : i32
      %multiple_of3A = tpu.assume_multiple %add3A_82, 128 : i32
      "tpu.region"() ({
        %run_scoped3A = tpu.sem_alloc : memref<!tpu.dma_semaphore, #tpu.memory_space<semaphore_mem>>
        %dma_start3A_99 = tpu.memref_slice %arg3[%multiple_of3A] : memref<323584xi32, #tpu.memory_space<hbm>> -> memref<128xi32, #tpu.memory_space<hbm>>
        %dma_start3A_100 = tpu.memref_slice %arg3[%multiple_of3A] : memref<323584xi32, #tpu.memory_space<hbm>> -> memref<128xi32, #tpu.memory_space<hbm>>
        tpu.enqueue_dma source(%dma_start3A_100 : memref<128xi32, #tpu.memory_space<hbm>>) target(%arg7 : memref<128xi32, #tpu.memory_space<vmem>>) target_semaphore(%run_scoped3A : memref<!tpu.dma_semaphore, #tpu.memory_space<semaphore_mem>>)
        %dma_wait3A_101 = tpu.memref_slice %arg3[%multiple_of3A] : memref<323584xi32, #tpu.memory_space<hbm>> -> memref<128xi32, #tpu.memory_space<hbm>>
        %dma_wait3A_102 = tpu.memref_slice %arg3[%multiple_of3A] : memref<323584xi32, #tpu.memory_space<hbm>> -> memref<128xi32, #tpu.memory_space<hbm>>
        tpu.wait_dma2 semaphore(%run_scoped3A : memref<!tpu.dma_semaphore, #tpu.memory_space<semaphore_mem>>) src(%dma_wait3A_102 : memref<128xi32, #tpu.memory_space<hbm>>) dst(%arg7 : memref<128xi32, #tpu.memory_space<vmem>>)
        tpu.yield
      }) : () -> ()
      %mul3A_83 = arith.constant 4 : i32
      %mul3A_84 = arith.muli %multiple_of3A, %mul3A_83 : i32
      %multiple_of3A_85 = tpu.assume_multiple %mul3A_84, 512 : i32
      "tpu.region"() ({
        %run_scoped3A = tpu.sem_alloc : memref<!tpu.dma_semaphore, #tpu.memory_space<semaphore_mem>>
        %dma_start3A_99 = tpu.memref_slice %arg4[%multiple_of3A_85] : memref<1294336xi32, #tpu.memory_space<hbm>> -> memref<512xi32, #tpu.memory_space<hbm>>
        %dma_start3A_100 = tpu.memref_slice %arg4[%multiple_of3A_85] : memref<1294336xi32, #tpu.memory_space<hbm>> -> memref<512xi32, #tpu.memory_space<hbm>>
        tpu.enqueue_dma source(%dma_start3A_100 : memref<512xi32, #tpu.memory_space<hbm>>) target(%arg8 : memref<512xi32, #tpu.memory_space<vmem>>) target_semaphore(%run_scoped3A : memref<!tpu.dma_semaphore, #tpu.memory_space<semaphore_mem>>)
        %dma_wait3A_101 = tpu.memref_slice %arg4[%multiple_of3A_85] : memref<1294336xi32, #tpu.memory_space<hbm>> -> memref<512xi32, #tpu.memory_space<hbm>>
        %dma_wait3A_102 = tpu.memref_slice %arg4[%multiple_of3A_85] : memref<1294336xi32, #tpu.memory_space<hbm>> -> memref<512xi32, #tpu.memory_space<hbm>>
        tpu.wait_dma2 semaphore(%run_scoped3A : memref<!tpu.dma_semaphore, #tpu.memory_space<semaphore_mem>>) src(%dma_wait3A_102 : memref<512xi32, #tpu.memory_space<hbm>>) dst(%arg8 : memref<512xi32, #tpu.memory_space<vmem>>)
        tpu.yield
      }) : () -> ()
      %mul3A_86 = arith.constant 16 : i32
      %mul3A_87 = arith.muli %multiple_of3A, %mul3A_86 : i32
      %multiple_of3A_88 = tpu.assume_multiple %mul3A_87, 2048 : i32
      "tpu.region"() ({
        %run_scoped3A = tpu.sem_alloc : memref<!tpu.dma_semaphore, #tpu.memory_space<semaphore_mem>>
        %dma_start3A_99 = tpu.memref_slice %arg5[%multiple_of3A_88] : memref<5177344xf32, #tpu.memory_space<hbm>> -> memref<2048xf32, #tpu.memory_space<hbm>>
        %dma_start3A_100 = tpu.memref_slice %arg5[%multiple_of3A_88] : memref<5177344xf32, #tpu.memory_space<hbm>> -> memref<2048xf32, #tpu.memory_space<hbm>>
        tpu.enqueue_dma source(%dma_start3A_100 : memref<2048xf32, #tpu.memory_space<hbm>>) target(%arg9 : memref<2048xf32, #tpu.memory_space<vmem>>) target_semaphore(%run_scoped3A : memref<!tpu.dma_semaphore, #tpu.memory_space<semaphore_mem>>)
        %dma_wait3A_101 = tpu.memref_slice %arg5[%multiple_of3A_88] : memref<5177344xf32, #tpu.memory_space<hbm>> -> memref<2048xf32, #tpu.memory_space<hbm>>
        %dma_wait3A_102 = tpu.memref_slice %arg5[%multiple_of3A_88] : memref<5177344xf32, #tpu.memory_space<hbm>> -> memref<2048xf32, #tpu.memory_space<hbm>>
        tpu.wait_dma2 semaphore(%run_scoped3A : memref<!tpu.dma_semaphore, #tpu.memory_space<semaphore_mem>>) src(%dma_wait3A_102 : memref<2048xf32, #tpu.memory_space<hbm>>) dst(%arg9 : memref<2048xf32, #tpu.memory_space<vmem>>)
        tpu.yield
      }) : () -> ()
      %dma_start3A = arith.constant 0 : i32
      %dma_start3A_89 = arith.constant 0 : i32
      %dma_start3A_90 = tpu.memref_slice %arg2[%dma_start3A, %dma_start3A_89] : memref<10000x128xbf16, #tpu.memory_space<hbm>> -> memref<10000x128xbf16, #tpu.memory_space<hbm>>
      tpu.enqueue_indirect_dma source(%dma_start3A_90 : memref<10000x128xbf16, #tpu.memory_space<hbm>>) target(%arg10 : memref<128x128xbf16, #tpu.memory_space<vmem>>) offsets(%arg7 : memref<128xi32, #tpu.memory_space<vmem>>) semaphore(%arg13 : memref<!tpu.dma_semaphore, #tpu.memory_space<semaphore_mem>>)
      %dma_wait3A = arith.constant 0 : i32
      %dma_wait3A_91 = arith.constant 0 : i32
      %dma_wait3A_92 = tpu.memref_slice %arg2[%dma_wait3A, %dma_wait3A_91] : memref<10000x128xbf16, #tpu.memory_space<hbm>> -> memref<10000x128xbf16, #tpu.memory_space<hbm>>
      tpu.wait_indirect_dma semaphore(%arg13 : memref<!tpu.dma_semaphore, #tpu.memory_space<semaphore_mem>>) src(%dma_wait3A_92 : memref<10000x128xbf16, #tpu.memory_space<hbm>>) dst(%arg10 : memref<128x128xbf16, #tpu.memory_space<vmem>>)
      %scan3A_93 = arith.constant 0 : i32
      %scan3A_94 = arith.constant 0 : i32
      %scan3A_95 = arith.constant 128 : i32
      %scan3A_96 = arith.addi %scan3A_94, %scan3A_95 : i32
      %scan3A_97 = arith.constant 1 : i32
      scf.for %scan3A_99 = %scan3A_94 to %scan3A_96 step %scan3A_97  : i32 {
        %mul3A_100 = arith.constant 16 : i32
        %mul3A_101 = arith.muli %scan3A_99, %mul3A_100 : i32
        %multiple_of3A_102 = tpu.assume_multiple %mul3A_101, 16 : i32
        %get3A = arith.index_cast %multiple_of3A_102 : i32 to index
        %get3A_103 = tpu.vector_load %arg9[%get3A] {strides = array<i32>} : memref<2048xf32, #tpu.memory_space<vmem>>, vector<16xf32>,
        %mul3A_104 = arith.constant 4 : i32
        %mul3A_105 = arith.muli %scan3A_99, %mul3A_104 : i32
        %get3A_106 = arith.index_cast %scan3A_99 : i32 to index
        %get3A_107 = arith.constant 0 : index
        %get3A_108 = tpu.vector_load %arg10[%get3A_106, %get3A_107] {strides = array<i32>} : memref<128x128xbf16, #tpu.memory_space<vmem>>, vector<32xbf16>,
        %unpack3A = tpu.unpack_subelements %get3A_108, 0 {pack_format = #tpu.pack_format<interleaved>} : vector<32xbf16> -> vector<16xf32>
        %unpack3A_109 = tpu.unpack_subelements %get3A_108, 1 {pack_format = #tpu.pack_format<interleaved>} : vector<32xbf16> -> vector<16xf32>
        %mul3A_110 = arith.mulf %unpack3A, %get3A_103 : vector<16xf32>
        %mul3A_111 = arith.mulf %unpack3A_109, %get3A_103 : vector<16xf32>
        %pack3A = tpu.pack_subelements %mul3A_110, %mul3A_111 {pack_format = #tpu.pack_format<interleaved>, positions = array<i32: 0, 1>} : vector<16xf32>, vector<16xf32> -> vector<32xbf16>
        %add3A_112 = arith.constant 0 : i32
        %add3A_113 = arith.addi %mul3A_105, %add3A_112 : i32
        %swap3A = arith.index_cast %add3A_113 : i32 to index
        %swap3A_114 = arith.constant 0 : index
        %swap3A_115 = tpu.vector_load %arg11[%swap3A, %swap3A_114] {strides = array<i32>} : memref<512x32xbf16, #tpu.memory_space<vmem>>, vector<32xbf16>,
        tpu.vector_store %arg11[%swap3A, %swap3A_114], %pack3A {strides = array<i32>} : memref<512x32xbf16, #tpu.memory_space<vmem>>, vector<32xbf16>,
        %get3A_116 = arith.index_cast %scan3A_99 : i32 to index
        %get3A_117 = arith.constant 32 : index
        %get3A_118 = tpu.vector_load %arg10[%get3A_116, %get3A_117] {strides = array<i32>} : memref<128x128xbf16, #tpu.memory_space<vmem>>, vector<32xbf16>,
        %unpack3A_119 = tpu.unpack_subelements %get3A_118, 0 {pack_format = #tpu.pack_format<interleaved>} : vector<32xbf16> -> vector<16xf32>
        %unpack3A_120 = tpu.unpack_subelements %get3A_118, 1 {pack_format = #tpu.pack_format<interleaved>} : vector<32xbf16> -> vector<16xf32>
        %mul3A_121 = arith.mulf %unpack3A_119, %get3A_103 : vector<16xf32>
        %mul3A_122 = arith.mulf %unpack3A_120, %get3A_103 : vector<16xf32>
        %pack3A_123 = tpu.pack_subelements %mul3A_121, %mul3A_122 {pack_format = #tpu.pack_format<interleaved>, positions = array<i32: 0, 1>} : vector<16xf32>, vector<16xf32> -> vector<32xbf16>
        %add3A_124 = arith.constant 1 : i32
        %add3A_125 = arith.addi %mul3A_105, %add3A_124 : i32
        %swap3A_126 = arith.index_cast %add3A_125 : i32 to index
        %swap3A_127 = arith.constant 0 : index
        %swap3A_128 = tpu.vector_load %arg11[%swap3A_126, %swap3A_127] {strides = array<i32>} : memref<512x32xbf16, #tpu.memory_space<vmem>>, vector<32xbf16>,
        tpu.vector_store %arg11[%swap3A_126, %swap3A_127], %pack3A_123 {strides = array<i32>} : memref<512x32xbf16, #tpu.memory_space<vmem>>, vector<32xbf16>,
        %get3A_129 = arith.index_cast %scan3A_99 : i32 to index
        %get3A_130 = arith.constant 64 : index
        %get3A_131 = tpu.vector_load %arg10[%get3A_129, %get3A_130] {strides = array<i32>} : memref<128x128xbf16, #tpu.memory_space<vmem>>, vector<32xbf16>,
        %unpack3A_132 = tpu.unpack_subelements %get3A_131, 0 {pack_format = #tpu.pack_format<interleaved>} : vector<32xbf16> -> vector<16xf32>
        %unpack3A_133 = tpu.unpack_subelements %get3A_131, 1 {pack_format = #tpu.pack_format<interleaved>} : vector<32xbf16> -> vector<16xf32>
        %mul3A_134 = arith.mulf %unpack3A_132, %get3A_103 : vector<16xf32>
        %mul3A_135 = arith.mulf %unpack3A_133, %get3A_103 : vector<16xf32>
        %pack3A_136 = tpu.pack_subelements %mul3A_134, %mul3A_135 {pack_format = #tpu.pack_format<interleaved>, positions = array<i32: 0, 1>} : vector<16xf32>, vector<16xf32> -> vector<32xbf16>
        %add3A_137 = arith.constant 2 : i32
        %add3A_138 = arith.addi %mul3A_105, %add3A_137 : i32
        %swap3A_139 = arith.index_cast %add3A_138 : i32 to index
        %swap3A_140 = arith.constant 0 : index
        %swap3A_141 = tpu.vector_load %arg11[%swap3A_139, %swap3A_140] {strides = array<i32>} : memref<512x32xbf16, #tpu.memory_space<vmem>>, vector<32xbf16>,
        tpu.vector_store %arg11[%swap3A_139, %swap3A_140], %pack3A_136 {strides = array<i32>} : memref<512x32xbf16, #tpu.memory_space<vmem>>, vector<32xbf16>,
        %get3A_142 = arith.index_cast %scan3A_99 : i32 to index
        %get3A_143 = arith.constant 96 : index
        %get3A_144 = tpu.vector_load %arg10[%get3A_142, %get3A_143] {strides = array<i32>} : memref<128x128xbf16, #tpu.memory_space<vmem>>, vector<32xbf16>,
        %unpack3A_145 = tpu.unpack_subelements %get3A_144, 0 {pack_format = #tpu.pack_format<interleaved>} : vector<32xbf16> -> vector<16xf32>
        %unpack3A_146 = tpu.unpack_subelements %get3A_144, 1 {pack_format = #tpu.pack_format<interleaved>} : vector<32xbf16> -> vector<16xf32>
        %mul3A_147 = arith.mulf %unpack3A_145, %get3A_103 : vector<16xf32>
        %mul3A_148 = arith.mulf %unpack3A_146, %get3A_103 : vector<16xf32>
        %pack3A_149 = tpu.pack_subelements %mul3A_147, %mul3A_148 {pack_format = #tpu.pack_format<interleaved>, positions = array<i32: 0, 1>} : vector<16xf32>, vector<16xf32> -> vector<32xbf16>
        %add3A_150 = arith.constant 3 : i32
        %add3A_151 = arith.addi %mul3A_105, %add3A_150 : i32
        %swap3A_152 = arith.index_cast %add3A_151 : i32 to index
        %swap3A_153 = arith.constant 0 : index
        %swap3A_154 = tpu.vector_load %arg11[%swap3A_152, %swap3A_153] {strides = array<i32>} : memref<512x32xbf16, #tpu.memory_space<vmem>>, vector<32xbf16>,
        tpu.vector_store %arg11[%swap3A_152, %swap3A_153], %pack3A_149 {strides = array<i32>} : memref<512x32xbf16, #tpu.memory_space<vmem>>, vector<32xbf16>,
      }
      %scan3A_98 = arith.constant 128 : i32
      "tpu.region"() ({
        %run_scoped3A = tpu.sem_alloc : memref<!tpu.dma_semaphore, #tpu.memory_space<semaphore_mem>>
        %dma_start3A_99 = arith.constant 0 : i32
        %dma_start3A_100 = arith.constant 0 : i32
        %dma_start3A_101 = tpu.memref_slice %arg12[%dma_start3A_99, %dma_start3A_100] : memref<40960x32xbf16, #tpu.memory_space<vmem_shared>> -> memref<40960x32xbf16, #tpu.memory_space<vmem_shared>>
        tpu.enqueue_indirect_dma source(%arg11 : memref<512x32xbf16, #tpu.memory_space<vmem>>) target(%dma_start3A_101 : memref<40960x32xbf16, #tpu.memory_space<vmem_shared>>) offsets(%arg8 : memref<512xi32, #tpu.memory_space<vmem>>) semaphore(%run_scoped3A : memref<!tpu.dma_semaphore, #tpu.memory_space<semaphore_mem>>) {add = true}
        %dma_wait3A_102 = arith.constant 0 : i32
        %dma_wait3A_103 = arith.constant 0 : i32
        %dma_wait3A_104 = tpu.memref_slice %arg12[%dma_wait3A_102, %dma_wait3A_103] : memref<40960x32xbf16, #tpu.memory_space<vmem_shared>> -> memref<40960x32xbf16, #tpu.memory_space<vmem_shared>>
        tpu.wait_indirect_dma semaphore(%run_scoped3A : memref<!tpu.dma_semaphore, #tpu.memory_space<semaphore_mem>>) src(%arg11 : memref<512x32xbf16, #tpu.memory_space<vmem>>) dst(%dma_wait3A_104 : memref<40960x32xbf16, #tpu.memory_space<vmem_shared>>)
        tpu.yield
      }) : () -> ()
    }
    %scan3A_25 = arith.constant 79 : i32
    %barrier3A_26 = arith.constant 0 : index
    tpu.barrier barrier_id(%barrier3A_26)
    %mul3A_27 = arith.constant 640 : i32
    %mul3A_28 = arith.muli %arg1, %mul3A_27 : i32
    %add3A_29 = arith.constant 0 : i32
    %add3A_30 = arith.addi %mul3A_4, %add3A_29 : i32
    "tpu.region"() ({
      %run_scoped3A = tpu.sem_alloc : memref<!tpu.dma_semaphore, #tpu.memory_space<semaphore_mem>>
      %dma_start3A = arith.constant 0 : i32
      %dma_start3A_79 = tpu.memref_slice %arg12[%add3A_30, %dma_start3A] : memref<40960x32xbf16, #tpu.memory_space<vmem_shared>> -> memref<512x32xbf16, #tpu.memory_space<vmem_shared>>
      %dma_start3A_80 = arith.constant 0 : i32
      %dma_start3A_81 = tpu.memref_slice %arg12[%add3A_30, %dma_start3A_80] : memref<40960x32xbf16, #tpu.memory_space<vmem_shared>> -> memref<512x32xbf16, #tpu.memory_space<vmem_shared>>
      tpu.enqueue_dma source(%dma_start3A_81 : memref<512x32xbf16, #tpu.memory_space<vmem_shared>>) target(%arg11 : memref<512x32xbf16, #tpu.memory_space<vmem>>) target_semaphore(%run_scoped3A : memref<!tpu.dma_semaphore, #tpu.memory_space<semaphore_mem>>)
      %dma_wait3A = arith.constant 0 : i32
      %dma_wait3A_82 = tpu.memref_slice %arg12[%add3A_30, %dma_wait3A] : memref<40960x32xbf16, #tpu.memory_space<vmem_shared>> -> memref<512x32xbf16, #tpu.memory_space<vmem_shared>>
      %dma_wait3A_83 = arith.constant 0 : i32
      %dma_wait3A_84 = tpu.memref_slice %arg12[%add3A_30, %dma_wait3A_83] : memref<40960x32xbf16, #tpu.memory_space<vmem_shared>> -> memref<512x32xbf16, #tpu.memory_space<vmem_shared>>
      tpu.wait_dma2 semaphore(%run_scoped3A : memref<!tpu.dma_semaphore, #tpu.memory_space<semaphore_mem>>) src(%dma_wait3A_84 : memref<512x32xbf16, #tpu.memory_space<vmem_shared>>) dst(%arg11 : memref<512x32xbf16, #tpu.memory_space<vmem>>)
      tpu.yield
    }) : () -> ()
    %scan3A_31 = arith.constant 0 : i32
    %scan3A_32 = arith.constant 0 : i32
    %scan3A_33 = arith.constant 128 : i32
    %scan3A_34 = arith.addi %scan3A_32, %scan3A_33 : i32
    %scan3A_35 = arith.constant 1 : i32
    scf.for %scan3A_79 = %scan3A_32 to %scan3A_34 step %scan3A_35  : i32 {
      %mul3A_80 = arith.constant 4 : i32
      %mul3A_81 = arith.muli %scan3A_79, %mul3A_80 : i32
      %add3A_82 = arith.constant 0 : i32
      %add3A_83 = arith.addi %mul3A_81, %add3A_82 : i32
      %get3A = arith.index_cast %add3A_83 : i32 to index
      %get3A_84 = arith.constant 0 : index
      %get3A_85 = tpu.vector_load %arg11[%get3A, %get3A_84] {strides = array<i32>} : memref<512x32xbf16, #tpu.memory_space<vmem>>, vector<32xbf16>,
      %swap3A = arith.index_cast %scan3A_79 : i32 to index
      %swap3A_86 = arith.constant 0 : index
      %swap3A_87 = tpu.vector_load %arg10[%swap3A, %swap3A_86] {strides = array<i32>} : memref<128x128xbf16, #tpu.memory_space<vmem>>, vector<32xbf16>,
      tpu.vector_store %arg10[%swap3A, %swap3A_86], %get3A_85 {strides = array<i32>} : memref<128x128xbf16, #tpu.memory_space<vmem>>, vector<32xbf16>,
      %add3A_88 = arith.constant 1 : i32
      %add3A_89 = arith.addi %mul3A_81, %add3A_88 : i32
      %get3A_90 = arith.index_cast %add3A_89 : i32 to index
      %get3A_91 = arith.constant 0 : index
      %get3A_92 = tpu.vector_load %arg11[%get3A_90, %get3A_91] {strides = array<i32>} : memref<512x32xbf16, #tpu.memory_space<vmem>>, vector<32xbf16>,
      %swap3A_93 = arith.index_cast %scan3A_79 : i32 to index
      %swap3A_94 = arith.constant 32 : index
      %swap3A_95 = tpu.vector_load %arg10[%swap3A_93, %swap3A_94] {strides = array<i32>} : memref<128x128xbf16, #tpu.memory_space<vmem>>, vector<32xbf16>,
      tpu.vector_store %arg10[%swap3A_93, %swap3A_94], %get3A_92 {strides = array<i32>} : memref<128x128xbf16, #tpu.memory_space<vmem>>, vector<32xbf16>,
      %add3A_96 = arith.constant 2 : i32
      %add3A_97 = arith.addi %mul3A_81, %add3A_96 : i32
      %get3A_98 = arith.index_cast %add3A_97 : i32 to index
      %get3A_99 = arith.constant 0 : index
      %get3A_100 = tpu.vector_load %arg11[%get3A_98, %get3A_99] {strides = array<i32>} : memref<512x32xbf16, #tpu.memory_space<vmem>>, vector<32xbf16>,
      %swap3A_101 = arith.index_cast %scan3A_79 : i32 to index
      %swap3A_102 = arith.constant 64 : index
      %swap3A_103 = tpu.vector_load %arg10[%swap3A_101, %swap3A_102] {strides = array<i32>} : memref<128x128xbf16, #tpu.memory_space<vmem>>, vector<32xbf16>,
      tpu.vector_store %arg10[%swap3A_101, %swap3A_102], %get3A_100 {strides = array<i32>} : memref<128x128xbf16, #tpu.memory_space<vmem>>, vector<32xbf16>,
      %add3A_104 = arith.constant 3 : i32
      %add3A_105 = arith.addi %mul3A_81, %add3A_104 : i32
      %get3A_106 = arith.index_cast %add3A_105 : i32 to index
      %get3A_107 = arith.constant 0 : index
      %get3A_108 = tpu.vector_load %arg11[%get3A_106, %get3A_107] {strides = array<i32>} : memref<512x32xbf16, #tpu.memory_space<vmem>>, vector<32xbf16>,
      %swap3A_109 = arith.index_cast %scan3A_79 : i32 to index
      %swap3A_110 = arith.constant 96 : index
      %swap3A_111 = tpu.vector_load %arg10[%swap3A_109, %swap3A_110] {strides = array<i32>} : memref<128x128xbf16, #tpu.memory_space<vmem>>, vector<32xbf16>,
      tpu.vector_store %arg10[%swap3A_109, %swap3A_110], %get3A_108 {strides = array<i32>} : memref<128x128xbf16, #tpu.memory_space<vmem>>, vector<32xbf16>,
    }
    %scan3A_36 = arith.constant 128 : i32
    %add3A_37 = arith.constant 0 : i32
    %add3A_38 = arith.addi %mul3A_28, %add3A_37 : i32
    "tpu.region"() ({
      %run_scoped3A = tpu.sem_alloc : memref<!tpu.dma_semaphore, #tpu.memory_space<semaphore_mem>>
      %dma_start3A = arith.constant 0 : i32
      %dma_start3A_79 = arith.constant 0 : i32
      %dma_start3A_80 = tpu.memref_slice %arg10[%dma_start3A, %dma_start3A_79] : memref<128x128xbf16, #tpu.memory_space<vmem>> -> memref<128x128xbf16, #tpu.memory_space<vmem>>
      %dma_start3A_81 = arith.constant 0 : i32
      %dma_start3A_82 = tpu.memref_slice %arg6[%arg0, %add3A_38, %dma_start3A_81] : memref<2x10240x128xbf16, #tpu.memory_space<hbm>> -> memref<1x128x128xbf16, #tpu.memory_space<hbm>>
      %dma_start3A_83 = tpu.memref_squeeze %dma_start3A_82 : memref<1x128x128xbf16, #tpu.memory_space<hbm>> -> memref<128x128xbf16, #tpu.memory_space<hbm>>
      %dma_start3A_84 = arith.constant 0 : i32
      %dma_start3A_85 = tpu.memref_slice %arg6[%arg0, %add3A_38, %dma_start3A_84] : memref<2x10240x128xbf16, #tpu.memory_space<hbm>> -> memref<1x128x128xbf16, #tpu.memory_space<hbm>>
      %dma_start3A_86 = tpu.memref_squeeze %dma_start3A_85 : memref<1x128x128xbf16, #tpu.memory_space<hbm>> -> memref<128x128xbf16, #tpu.memory_space<hbm>>
      %dma_start3A_87 = arith.constant 0 : i32
      %dma_start3A_88 = arith.constant 0 : i32
      %dma_start3A_89 = tpu.memref_slice %arg10[%dma_start3A_87, %dma_start3A_88] : memref<128x128xbf16, #tpu.memory_space<vmem>> -> memref<128x128xbf16, #tpu.memory_space<vmem>>
      tpu.enqueue_dma source(%dma_start3A_89 : memref<128x128xbf16, #tpu.memory_space<vmem>>) target(%dma_start3A_86 : memref<128x128xbf16, #tpu.memory_space<hbm>>) target_semaphore(%run_scoped3A : memref<!tpu.dma_semaphore, #tpu.memory_space<semaphore_mem>>)
      %dma_wait3A = arith.constant 0 : i32
      %dma_wait3A_90 = arith.constant 0 : i32
      %dma_wait3A_91 = tpu.memref_slice %arg10[%dma_wait3A, %dma_wait3A_90] : memref<128x128xbf16, #tpu.memory_space<vmem>> -> memref<128x128xbf16, #tpu.memory_space<vmem>>
      %dma_wait3A_92 = arith.constant 0 : i32
      %dma_wait3A_93 = tpu.memref_slice %arg6[%arg0, %add3A_38, %dma_wait3A_92] : memref<2x10240x128xbf16, #tpu.memory_space<hbm>> -> memref<1x128x128xbf16, #tpu.memory_space<hbm>>
      %dma_wait3A_94 = tpu.memref_squeeze %dma_wait3A_93 : memref<1x128x128xbf16, #tpu.memory_space<hbm>> -> memref<128x128xbf16, #tpu.memory_space<hbm>>
      %dma_wait3A_95 = arith.constant 0 : i32
      %dma_wait3A_96 = tpu.memref_slice %arg6[%arg0, %add3A_38, %dma_wait3A_95] : memref<2x10240x128xbf16, #tpu.memory_space<hbm>> -> memref<1x128x128xbf16, #tpu.memory_space<hbm>>
      %dma_wait3A_97 = tpu.memref_squeeze %dma_wait3A_96 : memref<1x128x128xbf16, #tpu.memory_space<hbm>> -> memref<128x128xbf16, #tpu.memory_space<hbm>>
      %dma_wait3A_98 = arith.constant 0 : i32
      %dma_wait3A_99 = arith.constant 0 : i32
      %dma_wait3A_100 = tpu.memref_slice %arg10[%dma_wait3A_98, %dma_wait3A_99] : memref<128x128xbf16, #tpu.memory_space<vmem>> -> memref<128x128xbf16, #tpu.memory_space<vmem>>
      tpu.wait_dma2 semaphore(%run_scoped3A : memref<!tpu.dma_semaphore, #tpu.memory_space<semaphore_mem>>) src(%dma_wait3A_100 : memref<128x128xbf16, #tpu.memory_space<vmem>>) dst(%dma_wait3A_97 : memref<128x128xbf16, #tpu.memory_space<hbm>>)
      tpu.yield
    }) : () -> ()
    %add3A_39 = arith.constant 512 : i32
    %add3A_40 = arith.addi %mul3A_4, %add3A_39 : i32
    "tpu.region"() ({
      %run_scoped3A = tpu.sem_alloc : memref<!tpu.dma_semaphore, #tpu.memory_space<semaphore_mem>>
      %dma_start3A = arith.constant 0 : i32
      %dma_start3A_79 = tpu.memref_slice %arg12[%add3A_40, %dma_start3A] : memref<40960x32xbf16, #tpu.memory_space<vmem_shared>> -> memref<512x32xbf16, #tpu.memory_space<vmem_shared>>
      %dma_start3A_80 = arith.constant 0 : i32
      %dma_start3A_81 = tpu.memref_slice %arg12[%add3A_40, %dma_start3A_80] : memref<40960x32xbf16, #tpu.memory_space<vmem_shared>> -> memref<512x32xbf16, #tpu.memory_space<vmem_shared>>
      tpu.enqueue_dma source(%dma_start3A_81 : memref<512x32xbf16, #tpu.memory_space<vmem_shared>>) target(%arg11 : memref<512x32xbf16, #tpu.memory_space<vmem>>) target_semaphore(%run_scoped3A : memref<!tpu.dma_semaphore, #tpu.memory_space<semaphore_mem>>)
      %dma_wait3A = arith.constant 0 : i32
      %dma_wait3A_82 = tpu.memref_slice %arg12[%add3A_40, %dma_wait3A] : memref<40960x32xbf16, #tpu.memory_space<vmem_shared>> -> memref<512x32xbf16, #tpu.memory_space<vmem_shared>>
      %dma_wait3A_83 = arith.constant 0 : i32
      %dma_wait3A_84 = tpu.memref_slice %arg12[%add3A_40, %dma_wait3A_83] : memref<40960x32xbf16, #tpu.memory_space<vmem_shared>> -> memref<512x32xbf16, #tpu.memory_space<vmem_shared>>
      tpu.wait_dma2 semaphore(%run_scoped3A : memref<!tpu.dma_semaphore, #tpu.memory_space<semaphore_mem>>) src(%dma_wait3A_84 : memref<512x32xbf16, #tpu.memory_space<vmem_shared>>) dst(%arg11 : memref<512x32xbf16, #tpu.memory_space<vmem>>)
      tpu.yield
    }) : () -> ()
    %scan3A_41 = arith.constant 0 : i32
    %scan3A_42 = arith.constant 0 : i32
    %scan3A_43 = arith.constant 128 : i32
    %scan3A_44 = arith.addi %scan3A_42, %scan3A_43 : i32
    %scan3A_45 = arith.constant 1 : i32
    scf.for %scan3A_79 = %scan3A_42 to %scan3A_44 step %scan3A_45  : i32 {
      %mul3A_80 = arith.constant 4 : i32
      %mul3A_81 = arith.muli %scan3A_79, %mul3A_80 : i32
      %add3A_82 = arith.constant 0 : i32
      %add3A_83 = arith.addi %mul3A_81, %add3A_82 : i32
      %get3A = arith.index_cast %add3A_83 : i32 to index
      %get3A_84 = arith.constant 0 : index
      %get3A_85 = tpu.vector_load %arg11[%get3A, %get3A_84] {strides = array<i32>} : memref<512x32xbf16, #tpu.memory_space<vmem>>, vector<32xbf16>,
      %swap3A = arith.index_cast %scan3A_79 : i32 to index
      %swap3A_86 = arith.constant 0 : index
      %swap3A_87 = tpu.vector_load %arg10[%swap3A, %swap3A_86] {strides = array<i32>} : memref<128x128xbf16, #tpu.memory_space<vmem>>, vector<32xbf16>,
      tpu.vector_store %arg10[%swap3A, %swap3A_86], %get3A_85 {strides = array<i32>} : memref<128x128xbf16, #tpu.memory_space<vmem>>, vector<32xbf16>,
      %add3A_88 = arith.constant 1 : i32
      %add3A_89 = arith.addi %mul3A_81, %add3A_88 : i32
      %get3A_90 = arith.index_cast %add3A_89 : i32 to index
      %get3A_91 = arith.constant 0 : index
      %get3A_92 = tpu.vector_load %arg11[%get3A_90, %get3A_91] {strides = array<i32>} : memref<512x32xbf16, #tpu.memory_space<vmem>>, vector<32xbf16>,
      %swap3A_93 = arith.index_cast %scan3A_79 : i32 to index
      %swap3A_94 = arith.constant 32 : index
      %swap3A_95 = tpu.vector_load %arg10[%swap3A_93, %swap3A_94] {strides = array<i32>} : memref<128x128xbf16, #tpu.memory_space<vmem>>, vector<32xbf16>,
      tpu.vector_store %arg10[%swap3A_93, %swap3A_94], %get3A_92 {strides = array<i32>} : memref<128x128xbf16, #tpu.memory_space<vmem>>, vector<32xbf16>,
      %add3A_96 = arith.constant 2 : i32
      %add3A_97 = arith.addi %mul3A_81, %add3A_96 : i32
      %get3A_98 = arith.index_cast %add3A_97 : i32 to index
      %get3A_99 = arith.constant 0 : index
      %get3A_100 = tpu.vector_load %arg11[%get3A_98, %get3A_99] {strides = array<i32>} : memref<512x32xbf16, #tpu.memory_space<vmem>>, vector<32xbf16>,
      %swap3A_101 = arith.index_cast %scan3A_79 : i32 to index
      %swap3A_102 = arith.constant 64 : index
      %swap3A_103 = tpu.vector_load %arg10[%swap3A_101, %swap3A_102] {strides = array<i32>} : memref<128x128xbf16, #tpu.memory_space<vmem>>, vector<32xbf16>,
      tpu.vector_store %arg10[%swap3A_101, %swap3A_102], %get3A_100 {strides = array<i32>} : memref<128x128xbf16, #tpu.memory_space<vmem>>, vector<32xbf16>,
      %add3A_104 = arith.constant 3 : i32
      %add3A_105 = arith.addi %mul3A_81, %add3A_104 : i32
      %get3A_106 = arith.index_cast %add3A_105 : i32 to index
      %get3A_107 = arith.constant 0 : index
      %get3A_108 = tpu.vector_load %arg11[%get3A_106, %get3A_107] {strides = array<i32>} : memref<512x32xbf16, #tpu.memory_space<vmem>>, vector<32xbf16>,
      %swap3A_109 = arith.index_cast %scan3A_79 : i32 to index
      %swap3A_110 = arith.constant 96 : index
      %swap3A_111 = tpu.vector_load %arg10[%swap3A_109, %swap3A_110] {strides = array<i32>} : memref<128x128xbf16, #tpu.memory_space<vmem>>, vector<32xbf16>,
      tpu.vector_store %arg10[%swap3A_109, %swap3A_110], %get3A_108 {strides = array<i32>} : memref<128x128xbf16, #tpu.memory_space<vmem>>, vector<32xbf16>,
    }
    %scan3A_46 = arith.constant 128 : i32
    %add3A_47 = arith.constant 128 : i32
    %add3A_48 = arith.addi %mul3A_28, %add3A_47 : i32
    "tpu.region"() ({
      %run_scoped3A = tpu.sem_alloc : memref<!tpu.dma_semaphore, #tpu.memory_space<semaphore_mem>>
      %dma_start3A = arith.constant 0 : i32
      %dma_start3A_79 = arith.constant 0 : i32
      %dma_start3A_80 = tpu.memref_slice %arg10[%dma_start3A, %dma_start3A_79] : memref<128x128xbf16, #tpu.memory_space<vmem>> -> memref<128x128xbf16, #tpu.memory_space<vmem>>
      %dma_start3A_81 = arith.constant 0 : i32
      %dma_start3A_82 = tpu.memref_slice %arg6[%arg0, %add3A_48, %dma_start3A_81] : memref<2x10240x128xbf16, #tpu.memory_space<hbm>> -> memref<1x128x128xbf16, #tpu.memory_space<hbm>>
      %dma_start3A_83 = tpu.memref_squeeze %dma_start3A_82 : memref<1x128x128xbf16, #tpu.memory_space<hbm>> -> memref<128x128xbf16, #tpu.memory_space<hbm>>
      %dma_start3A_84 = arith.constant 0 : i32
      %dma_start3A_85 = tpu.memref_slice %arg6[%arg0, %add3A_48, %dma_start3A_84] : memref<2x10240x128xbf16, #tpu.memory_space<hbm>> -> memref<1x128x128xbf16, #tpu.memory_space<hbm>>
      %dma_start3A_86 = tpu.memref_squeeze %dma_start3A_85 : memref<1x128x128xbf16, #tpu.memory_space<hbm>> -> memref<128x128xbf16, #tpu.memory_space<hbm>>
      %dma_start3A_87 = arith.constant 0 : i32
      %dma_start3A_88 = arith.constant 0 : i32
      %dma_start3A_89 = tpu.memref_slice %arg10[%dma_start3A_87, %dma_start3A_88] : memref<128x128xbf16, #tpu.memory_space<vmem>> -> memref<128x128xbf16, #tpu.memory_space<vmem>>
      tpu.enqueue_dma source(%dma_start3A_89 : memref<128x128xbf16, #tpu.memory_space<vmem>>) target(%dma_start3A_86 : memref<128x128xbf16, #tpu.memory_space<hbm>>) target_semaphore(%run_scoped3A : memref<!tpu.dma_semaphore, #tpu.memory_space<semaphore_mem>>)
      %dma_wait3A = arith.constant 0 : i32
      %dma_wait3A_90 = arith.constant 0 : i32
      %dma_wait3A_91 = tpu.memref_slice %arg10[%dma_wait3A, %dma_wait3A_90] : memref<128x128xbf16, #tpu.memory_space<vmem>> -> memref<128x128xbf16, #tpu.memory_space<vmem>>
      %dma_wait3A_92 = arith.constant 0 : i32
      %dma_wait3A_93 = tpu.memref_slice %arg6[%arg0, %add3A_48, %dma_wait3A_92] : memref<2x10240x128xbf16, #tpu.memory_space<hbm>> -> memref<1x128x128xbf16, #tpu.memory_space<hbm>>
      %dma_wait3A_94 = tpu.memref_squeeze %dma_wait3A_93 : memref<1x128x128xbf16, #tpu.memory_space<hbm>> -> memref<128x128xbf16, #tpu.memory_space<hbm>>
      %dma_wait3A_95 = arith.constant 0 : i32
      %dma_wait3A_96 = tpu.memref_slice %arg6[%arg0, %add3A_48, %dma_wait3A_95] : memref<2x10240x128xbf16, #tpu.memory_space<hbm>> -> memref<1x128x128xbf16, #tpu.memory_space<hbm>>
      %dma_wait3A_97 = tpu.memref_squeeze %dma_wait3A_96 : memref<1x128x128xbf16, #tpu.memory_space<hbm>> -> memref<128x128xbf16, #tpu.memory_space<hbm>>
      %dma_wait3A_98 = arith.constant 0 : i32
      %dma_wait3A_99 = arith.constant 0 : i32
      %dma_wait3A_100 = tpu.memref_slice %arg10[%dma_wait3A_98, %dma_wait3A_99] : memref<128x128xbf16, #tpu.memory_space<vmem>> -> memref<128x128xbf16, #tpu.memory_space<vmem>>
      tpu.wait_dma2 semaphore(%run_scoped3A : memref<!tpu.dma_semaphore, #tpu.memory_space<semaphore_mem>>) src(%dma_wait3A_100 : memref<128x128xbf16, #tpu.memory_space<vmem>>) dst(%dma_wait3A_97 : memref<128x128xbf16, #tpu.memory_space<hbm>>)
      tpu.yield
    }) : () -> ()
    %add3A_49 = arith.constant 1024 : i32
    %add3A_50 = arith.addi %mul3A_4, %add3A_49 : i32
    "tpu.region"() ({
      %run_scoped3A = tpu.sem_alloc : memref<!tpu.dma_semaphore, #tpu.memory_space<semaphore_mem>>
      %dma_start3A = arith.constant 0 : i32
      %dma_start3A_79 = tpu.memref_slice %arg12[%add3A_50, %dma_start3A] : memref<40960x32xbf16, #tpu.memory_space<vmem_shared>> -> memref<512x32xbf16, #tpu.memory_space<vmem_shared>>
      %dma_start3A_80 = arith.constant 0 : i32
      %dma_start3A_81 = tpu.memref_slice %arg12[%add3A_50, %dma_start3A_80] : memref<40960x32xbf16, #tpu.memory_space<vmem_shared>> -> memref<512x32xbf16, #tpu.memory_space<vmem_shared>>
      tpu.enqueue_dma source(%dma_start3A_81 : memref<512x32xbf16, #tpu.memory_space<vmem_shared>>) target(%arg11 : memref<512x32xbf16, #tpu.memory_space<vmem>>) target_semaphore(%run_scoped3A : memref<!tpu.dma_semaphore, #tpu.memory_space<semaphore_mem>>)
      %dma_wait3A = arith.constant 0 : i32
      %dma_wait3A_82 = tpu.memref_slice %arg12[%add3A_50, %dma_wait3A] : memref<40960x32xbf16, #tpu.memory_space<vmem_shared>> -> memref<512x32xbf16, #tpu.memory_space<vmem_shared>>
      %dma_wait3A_83 = arith.constant 0 : i32
      %dma_wait3A_84 = tpu.memref_slice %arg12[%add3A_50, %dma_wait3A_83] : memref<40960x32xbf16, #tpu.memory_space<vmem_shared>> -> memref<512x32xbf16, #tpu.memory_space<vmem_shared>>
      tpu.wait_dma2 semaphore(%run_scoped3A : memref<!tpu.dma_semaphore, #tpu.memory_space<semaphore_mem>>) src(%dma_wait3A_84 : memref<512x32xbf16, #tpu.memory_space<vmem_shared>>) dst(%arg11 : memref<512x32xbf16, #tpu.memory_space<vmem>>)
      tpu.yield
    }) : () -> ()
    %scan3A_51 = arith.constant 0 : i32
    %scan3A_52 = arith.constant 0 : i32
    %scan3A_53 = arith.constant 128 : i32
    %scan3A_54 = arith.addi %scan3A_52, %scan3A_53 : i32
    %scan3A_55 = arith.constant 1 : i32
    scf.for %scan3A_79 = %scan3A_52 to %scan3A_54 step %scan3A_55  : i32 {
      %mul3A_80 = arith.constant 4 : i32
      %mul3A_81 = arith.muli %scan3A_79, %mul3A_80 : i32
      %add3A_82 = arith.constant 0 : i32
      %add3A_83 = arith.addi %mul3A_81, %add3A_82 : i32
      %get3A = arith.index_cast %add3A_83 : i32 to index
      %get3A_84 = arith.constant 0 : index
      %get3A_85 = tpu.vector_load %arg11[%get3A, %get3A_84] {strides = array<i32>} : memref<512x32xbf16, #tpu.memory_space<vmem>>, vector<32xbf16>,
      %swap3A = arith.index_cast %scan3A_79 : i32 to index
      %swap3A_86 = arith.constant 0 : index
      %swap3A_87 = tpu.vector_load %arg10[%swap3A, %swap3A_86] {strides = array<i32>} : memref<128x128xbf16, #tpu.memory_space<vmem>>, vector<32xbf16>,
      tpu.vector_store %arg10[%swap3A, %swap3A_86], %get3A_85 {strides = array<i32>} : memref<128x128xbf16, #tpu.memory_space<vmem>>, vector<32xbf16>,
      %add3A_88 = arith.constant 1 : i32
      %add3A_89 = arith.addi %mul3A_81, %add3A_88 : i32
      %get3A_90 = arith.index_cast %add3A_89 : i32 to index
      %get3A_91 = arith.constant 0 : index
      %get3A_92 = tpu.vector_load %arg11[%get3A_90, %get3A_91] {strides = array<i32>} : memref<512x32xbf16, #tpu.memory_space<vmem>>, vector<32xbf16>,
      %swap3A_93 = arith.index_cast %scan3A_79 : i32 to index
      %swap3A_94 = arith.constant 32 : index
      %swap3A_95 = tpu.vector_load %arg10[%swap3A_93, %swap3A_94] {strides = array<i32>} : memref<128x128xbf16, #tpu.memory_space<vmem>>, vector<32xbf16>,
      tpu.vector_store %arg10[%swap3A_93, %swap3A_94], %get3A_92 {strides = array<i32>} : memref<128x128xbf16, #tpu.memory_space<vmem>>, vector<32xbf16>,
      %add3A_96 = arith.constant 2 : i32
      %add3A_97 = arith.addi %mul3A_81, %add3A_96 : i32
      %get3A_98 = arith.index_cast %add3A_97 : i32 to index
      %get3A_99 = arith.constant 0 : index
      %get3A_100 = tpu.vector_load %arg11[%get3A_98, %get3A_99] {strides = array<i32>} : memref<512x32xbf16, #tpu.memory_space<vmem>>, vector<32xbf16>,
      %swap3A_101 = arith.index_cast %scan3A_79 : i32 to index
      %swap3A_102 = arith.constant 64 : index
      %swap3A_103 = tpu.vector_load %arg10[%swap3A_101, %swap3A_102] {strides = array<i32>} : memref<128x128xbf16, #tpu.memory_space<vmem>>, vector<32xbf16>,
      tpu.vector_store %arg10[%swap3A_101, %swap3A_102], %get3A_100 {strides = array<i32>} : memref<128x128xbf16, #tpu.memory_space<vmem>>, vector<32xbf16>,
      %add3A_104 = arith.constant 3 : i32
      %add3A_105 = arith.addi %mul3A_81, %add3A_104 : i32
      %get3A_106 = arith.index_cast %add3A_105 : i32 to index
      %get3A_107 = arith.constant 0 : index
      %get3A_108 = tpu.vector_load %arg11[%get3A_106, %get3A_107] {strides = array<i32>} : memref<512x32xbf16, #tpu.memory_space<vmem>>, vector<32xbf16>,
      %swap3A_109 = arith.index_cast %scan3A_79 : i32 to index
      %swap3A_110 = arith.constant 96 : index
      %swap3A_111 = tpu.vector_load %arg10[%swap3A_109, %swap3A_110] {strides = array<i32>} : memref<128x128xbf16, #tpu.memory_space<vmem>>, vector<32xbf16>,
      tpu.vector_store %arg10[%swap3A_109, %swap3A_110], %get3A_108 {strides = array<i32>} : memref<128x128xbf16, #tpu.memory_space<vmem>>, vector<32xbf16>,
    }
    %scan3A_56 = arith.constant 128 : i32
    %add3A_57 = arith.constant 256 : i32
    %add3A_58 = arith.addi %mul3A_28, %add3A_57 : i32
    "tpu.region"() ({
      %run_scoped3A = tpu.sem_alloc : memref<!tpu.dma_semaphore, #tpu.memory_space<semaphore_mem>>
      %dma_start3A = arith.constant 0 : i32
      %dma_start3A_79 = arith.constant 0 : i32
      %dma_start3A_80 = tpu.memref_slice %arg10[%dma_start3A, %dma_start3A_79] : memref<128x128xbf16, #tpu.memory_space<vmem>> -> memref<128x128xbf16, #tpu.memory_space<vmem>>
      %dma_start3A_81 = arith.constant 0 : i32
      %dma_start3A_82 = tpu.memref_slice %arg6[%arg0, %add3A_58, %dma_start3A_81] : memref<2x10240x128xbf16, #tpu.memory_space<hbm>> -> memref<1x128x128xbf16, #tpu.memory_space<hbm>>
      %dma_start3A_83 = tpu.memref_squeeze %dma_start3A_82 : memref<1x128x128xbf16, #tpu.memory_space<hbm>> -> memref<128x128xbf16, #tpu.memory_space<hbm>>
      %dma_start3A_84 = arith.constant 0 : i32
      %dma_start3A_85 = tpu.memref_slice %arg6[%arg0, %add3A_58, %dma_start3A_84] : memref<2x10240x128xbf16, #tpu.memory_space<hbm>> -> memref<1x128x128xbf16, #tpu.memory_space<hbm>>
      %dma_start3A_86 = tpu.memref_squeeze %dma_start3A_85 : memref<1x128x128xbf16, #tpu.memory_space<hbm>> -> memref<128x128xbf16, #tpu.memory_space<hbm>>
      %dma_start3A_87 = arith.constant 0 : i32
      %dma_start3A_88 = arith.constant 0 : i32
      %dma_start3A_89 = tpu.memref_slice %arg10[%dma_start3A_87, %dma_start3A_88] : memref<128x128xbf16, #tpu.memory_space<vmem>> -> memref<128x128xbf16, #tpu.memory_space<vmem>>
      tpu.enqueue_dma source(%dma_start3A_89 : memref<128x128xbf16, #tpu.memory_space<vmem>>) target(%dma_start3A_86 : memref<128x128xbf16, #tpu.memory_space<hbm>>) target_semaphore(%run_scoped3A : memref<!tpu.dma_semaphore, #tpu.memory_space<semaphore_mem>>)
      %dma_wait3A = arith.constant 0 : i32
      %dma_wait3A_90 = arith.constant 0 : i32
      %dma_wait3A_91 = tpu.memref_slice %arg10[%dma_wait3A, %dma_wait3A_90] : memref<128x128xbf16, #tpu.memory_space<vmem>> -> memref<128x128xbf16, #tpu.memory_space<vmem>>
      %dma_wait3A_92 = arith.constant 0 : i32
      %dma_wait3A_93 = tpu.memref_slice %arg6[%arg0, %add3A_58, %dma_wait3A_92] : memref<2x10240x128xbf16, #tpu.memory_space<hbm>> -> memref<1x128x128xbf16, #tpu.memory_space<hbm>>
      %dma_wait3A_94 = tpu.memref_squeeze %dma_wait3A_93 : memref<1x128x128xbf16, #tpu.memory_space<hbm>> -> memref<128x128xbf16, #tpu.memory_space<hbm>>
      %dma_wait3A_95 = arith.constant 0 : i32
      %dma_wait3A_96 = tpu.memref_slice %arg6[%arg0, %add3A_58, %dma_wait3A_95] : memref<2x10240x128xbf16, #tpu.memory_space<hbm>> -> memref<1x128x128xbf16, #tpu.memory_space<hbm>>
      %dma_wait3A_97 = tpu.memref_squeeze %dma_wait3A_96 : memref<1x128x128xbf16, #tpu.memory_space<hbm>> -> memref<128x128xbf16, #tpu.memory_space<hbm>>
      %dma_wait3A_98 = arith.constant 0 : i32
      %dma_wait3A_99 = arith.constant 0 : i32
      %dma_wait3A_100 = tpu.memref_slice %arg10[%dma_wait3A_98, %dma_wait3A_99] : memref<128x128xbf16, #tpu.memory_space<vmem>> -> memref<128x128xbf16, #tpu.memory_space<vmem>>
      tpu.wait_dma2 semaphore(%run_scoped3A : memref<!tpu.dma_semaphore, #tpu.memory_space<semaphore_mem>>) src(%dma_wait3A_100 : memref<128x128xbf16, #tpu.memory_space<vmem>>) dst(%dma_wait3A_97 : memref<128x128xbf16, #tpu.memory_space<hbm>>)
      tpu.yield
    }) : () -> ()
    %add3A_59 = arith.constant 1536 : i32
    %add3A_60 = arith.addi %mul3A_4, %add3A_59 : i32
    "tpu.region"() ({
      %run_scoped3A = tpu.sem_alloc : memref<!tpu.dma_semaphore, #tpu.memory_space<semaphore_mem>>
      %dma_start3A = arith.constant 0 : i32
      %dma_start3A_79 = tpu.memref_slice %arg12[%add3A_60, %dma_start3A] : memref<40960x32xbf16, #tpu.memory_space<vmem_shared>> -> memref<512x32xbf16, #tpu.memory_space<vmem_shared>>
      %dma_start3A_80 = arith.constant 0 : i32
      %dma_start3A_81 = tpu.memref_slice %arg12[%add3A_60, %dma_start3A_80] : memref<40960x32xbf16, #tpu.memory_space<vmem_shared>> -> memref<512x32xbf16, #tpu.memory_space<vmem_shared>>
      tpu.enqueue_dma source(%dma_start3A_81 : memref<512x32xbf16, #tpu.memory_space<vmem_shared>>) target(%arg11 : memref<512x32xbf16, #tpu.memory_space<vmem>>) target_semaphore(%run_scoped3A : memref<!tpu.dma_semaphore, #tpu.memory_space<semaphore_mem>>)
      %dma_wait3A = arith.constant 0 : i32
      %dma_wait3A_82 = tpu.memref_slice %arg12[%add3A_60, %dma_wait3A] : memref<40960x32xbf16, #tpu.memory_space<vmem_shared>> -> memref<512x32xbf16, #tpu.memory_space<vmem_shared>>
      %dma_wait3A_83 = arith.constant 0 : i32
      %dma_wait3A_84 = tpu.memref_slice %arg12[%add3A_60, %dma_wait3A_83] : memref<40960x32xbf16, #tpu.memory_space<vmem_shared>> -> memref<512x32xbf16, #tpu.memory_space<vmem_shared>>
      tpu.wait_dma2 semaphore(%run_scoped3A : memref<!tpu.dma_semaphore, #tpu.memory_space<semaphore_mem>>) src(%dma_wait3A_84 : memref<512x32xbf16, #tpu.memory_space<vmem_shared>>) dst(%arg11 : memref<512x32xbf16, #tpu.memory_space<vmem>>)
      tpu.yield
    }) : () -> ()
    %scan3A_61 = arith.constant 0 : i32
    %scan3A_62 = arith.constant 0 : i32
    %scan3A_63 = arith.constant 128 : i32
    %scan3A_64 = arith.addi %scan3A_62, %scan3A_63 : i32
    %scan3A_65 = arith.constant 1 : i32
    scf.for %scan3A_79 = %scan3A_62 to %scan3A_64 step %scan3A_65  : i32 {
      %mul3A_80 = arith.constant 4 : i32
      %mul3A_81 = arith.muli %scan3A_79, %mul3A_80 : i32
      %add3A_82 = arith.constant 0 : i32
      %add3A_83 = arith.addi %mul3A_81, %add3A_82 : i32
      %get3A = arith.index_cast %add3A_83 : i32 to index
      %get3A_84 = arith.constant 0 : index
      %get3A_85 = tpu.vector_load %arg11[%get3A, %get3A_84] {strides = array<i32>} : memref<512x32xbf16, #tpu.memory_space<vmem>>, vector<32xbf16>,
      %swap3A = arith.index_cast %scan3A_79 : i32 to index
      %swap3A_86 = arith.constant 0 : index
      %swap3A_87 = tpu.vector_load %arg10[%swap3A, %swap3A_86] {strides = array<i32>} : memref<128x128xbf16, #tpu.memory_space<vmem>>, vector<32xbf16>,
      tpu.vector_store %arg10[%swap3A, %swap3A_86], %get3A_85 {strides = array<i32>} : memref<128x128xbf16, #tpu.memory_space<vmem>>, vector<32xbf16>,
      %add3A_88 = arith.constant 1 : i32
      %add3A_89 = arith.addi %mul3A_81, %add3A_88 : i32
      %get3A_90 = arith.index_cast %add3A_89 : i32 to index
      %get3A_91 = arith.constant 0 : index
      %get3A_92 = tpu.vector_load %arg11[%get3A_90, %get3A_91] {strides = array<i32>} : memref<512x32xbf16, #tpu.memory_space<vmem>>, vector<32xbf16>,
      %swap3A_93 = arith.index_cast %scan3A_79 : i32 to index
      %swap3A_94 = arith.constant 32 : index
      %swap3A_95 = tpu.vector_load %arg10[%swap3A_93, %swap3A_94] {strides = array<i32>} : memref<128x128xbf16, #tpu.memory_space<vmem>>, vector<32xbf16>,
      tpu.vector_store %arg10[%swap3A_93, %swap3A_94], %get3A_92 {strides = array<i32>} : memref<128x128xbf16, #tpu.memory_space<vmem>>, vector<32xbf16>,
      %add3A_96 = arith.constant 2 : i32
      %add3A_97 = arith.addi %mul3A_81, %add3A_96 : i32
      %get3A_98 = arith.index_cast %add3A_97 : i32 to index
      %get3A_99 = arith.constant 0 : index
      %get3A_100 = tpu.vector_load %arg11[%get3A_98, %get3A_99] {strides = array<i32>} : memref<512x32xbf16, #tpu.memory_space<vmem>>, vector<32xbf16>,
      %swap3A_101 = arith.index_cast %scan3A_79 : i32 to index
      %swap3A_102 = arith.constant 64 : index
      %swap3A_103 = tpu.vector_load %arg10[%swap3A_101, %swap3A_102] {strides = array<i32>} : memref<128x128xbf16, #tpu.memory_space<vmem>>, vector<32xbf16>,
      tpu.vector_store %arg10[%swap3A_101, %swap3A_102], %get3A_100 {strides = array<i32>} : memref<128x128xbf16, #tpu.memory_space<vmem>>, vector<32xbf16>,
      %add3A_104 = arith.constant 3 : i32
      %add3A_105 = arith.addi %mul3A_81, %add3A_104 : i32
      %get3A_106 = arith.index_cast %add3A_105 : i32 to index
      %get3A_107 = arith.constant 0 : index
      %get3A_108 = tpu.vector_load %arg11[%get3A_106, %get3A_107] {strides = array<i32>} : memref<512x32xbf16, #tpu.memory_space<vmem>>, vector<32xbf16>,
      %swap3A_109 = arith.index_cast %scan3A_79 : i32 to index
      %swap3A_110 = arith.constant 96 : index
      %swap3A_111 = tpu.vector_load %arg10[%swap3A_109, %swap3A_110] {strides = array<i32>} : memref<128x128xbf16, #tpu.memory_space<vmem>>, vector<32xbf16>,
      tpu.vector_store %arg10[%swap3A_109, %swap3A_110], %get3A_108 {strides = array<i32>} : memref<128x128xbf16, #tpu.memory_space<vmem>>, vector<32xbf16>,
    }
    %scan3A_66 = arith.constant 128 : i32
    %add3A_67 = arith.constant 384 : i32
    %add3A_68 = arith.addi %mul3A_28, %add3A_67 : i32
    "tpu.region"() ({
      %run_scoped3A = tpu.sem_alloc : memref<!tpu.dma_semaphore, #tpu.memory_space<semaphore_mem>>
      %dma_start3A = arith.constant 0 : i32
      %dma_start3A_79 = arith.constant 0 : i32
      %dma_start3A_80 = tpu.memref_slice %arg10[%dma_start3A, %dma_start3A_79] : memref<128x128xbf16, #tpu.memory_space<vmem>> -> memref<128x128xbf16, #tpu.memory_space<vmem>>
      %dma_start3A_81 = arith.constant 0 : i32
      %dma_start3A_82 = tpu.memref_slice %arg6[%arg0, %add3A_68, %dma_start3A_81] : memref<2x10240x128xbf16, #tpu.memory_space<hbm>> -> memref<1x128x128xbf16, #tpu.memory_space<hbm>>
      %dma_start3A_83 = tpu.memref_squeeze %dma_start3A_82 : memref<1x128x128xbf16, #tpu.memory_space<hbm>> -> memref<128x128xbf16, #tpu.memory_space<hbm>>
      %dma_start3A_84 = arith.constant 0 : i32
      %dma_start3A_85 = tpu.memref_slice %arg6[%arg0, %add3A_68, %dma_start3A_84] : memref<2x10240x128xbf16, #tpu.memory_space<hbm>> -> memref<1x128x128xbf16, #tpu.memory_space<hbm>>
      %dma_start3A_86 = tpu.memref_squeeze %dma_start3A_85 : memref<1x128x128xbf16, #tpu.memory_space<hbm>> -> memref<128x128xbf16, #tpu.memory_space<hbm>>
      %dma_start3A_87 = arith.constant 0 : i32
      %dma_start3A_88 = arith.constant 0 : i32
      %dma_start3A_89 = tpu.memref_slice %arg10[%dma_start3A_87, %dma_start3A_88] : memref<128x128xbf16, #tpu.memory_space<vmem>> -> memref<128x128xbf16, #tpu.memory_space<vmem>>
      tpu.enqueue_dma source(%dma_start3A_89 : memref<128x128xbf16, #tpu.memory_space<vmem>>) target(%dma_start3A_86 : memref<128x128xbf16, #tpu.memory_space<hbm>>) target_semaphore(%run_scoped3A : memref<!tpu.dma_semaphore, #tpu.memory_space<semaphore_mem>>)
      %dma_wait3A = arith.constant 0 : i32
      %dma_wait3A_90 = arith.constant 0 : i32
      %dma_wait3A_91 = tpu.memref_slice %arg10[%dma_wait3A, %dma_wait3A_90] : memref<128x128xbf16, #tpu.memory_space<vmem>> -> memref<128x128xbf16, #tpu.memory_space<vmem>>
      %dma_wait3A_92 = arith.constant 0 : i32
      %dma_wait3A_93 = tpu.memref_slice %arg6[%arg0, %add3A_68, %dma_wait3A_92] : memref<2x10240x128xbf16, #tpu.memory_space<hbm>> -> memref<1x128x128xbf16, #tpu.memory_space<hbm>>
      %dma_wait3A_94 = tpu.memref_squeeze %dma_wait3A_93 : memref<1x128x128xbf16, #tpu.memory_space<hbm>> -> memref<128x128xbf16, #tpu.memory_space<hbm>>
      %dma_wait3A_95 = arith.constant 0 : i32
      %dma_wait3A_96 = tpu.memref_slice %arg6[%arg0, %add3A_68, %dma_wait3A_95] : memref<2x10240x128xbf16, #tpu.memory_space<hbm>> -> memref<1x128x128xbf16, #tpu.memory_space<hbm>>
      %dma_wait3A_97 = tpu.memref_squeeze %dma_wait3A_96 : memref<1x128x128xbf16, #tpu.memory_space<hbm>> -> memref<128x128xbf16, #tpu.memory_space<hbm>>
      %dma_wait3A_98 = arith.constant 0 : i32
      %dma_wait3A_99 = arith.constant 0 : i32
      %dma_wait3A_100 = tpu.memref_slice %arg10[%dma_wait3A_98, %dma_wait3A_99] : memref<128x128xbf16, #tpu.memory_space<vmem>> -> memref<128x128xbf16, #tpu.memory_space<vmem>>
      tpu.wait_dma2 semaphore(%run_scoped3A : memref<!tpu.dma_semaphore, #tpu.memory_space<semaphore_mem>>) src(%dma_wait3A_100 : memref<128x128xbf16, #tpu.memory_space<vmem>>) dst(%dma_wait3A_97 : memref<128x128xbf16, #tpu.memory_space<hbm>>)
      tpu.yield
    }) : () -> ()
    %add3A_69 = arith.constant 2048 : i32
    %add3A_70 = arith.addi %mul3A_4, %add3A_69 : i32
    "tpu.region"() ({
      %run_scoped3A = tpu.sem_alloc : memref<!tpu.dma_semaphore, #tpu.memory_space<semaphore_mem>>
      %dma_start3A = arith.constant 0 : i32
      %dma_start3A_79 = tpu.memref_slice %arg12[%add3A_70, %dma_start3A] : memref<40960x32xbf16, #tpu.memory_space<vmem_shared>> -> memref<512x32xbf16, #tpu.memory_space<vmem_shared>>
      %dma_start3A_80 = arith.constant 0 : i32
      %dma_start3A_81 = tpu.memref_slice %arg12[%add3A_70, %dma_start3A_80] : memref<40960x32xbf16, #tpu.memory_space<vmem_shared>> -> memref<512x32xbf16, #tpu.memory_space<vmem_shared>>
      tpu.enqueue_dma source(%dma_start3A_81 : memref<512x32xbf16, #tpu.memory_space<vmem_shared>>) target(%arg11 : memref<512x32xbf16, #tpu.memory_space<vmem>>) target_semaphore(%run_scoped3A : memref<!tpu.dma_semaphore, #tpu.memory_space<semaphore_mem>>)
      %dma_wait3A = arith.constant 0 : i32
      %dma_wait3A_82 = tpu.memref_slice %arg12[%add3A_70, %dma_wait3A] : memref<40960x32xbf16, #tpu.memory_space<vmem_shared>> -> memref<512x32xbf16, #tpu.memory_space<vmem_shared>>
      %dma_wait3A_83 = arith.constant 0 : i32
      %dma_wait3A_84 = tpu.memref_slice %arg12[%add3A_70, %dma_wait3A_83] : memref<40960x32xbf16, #tpu.memory_space<vmem_shared>> -> memref<512x32xbf16, #tpu.memory_space<vmem_shared>>
      tpu.wait_dma2 semaphore(%run_scoped3A : memref<!tpu.dma_semaphore, #tpu.memory_space<semaphore_mem>>) src(%dma_wait3A_84 : memref<512x32xbf16, #tpu.memory_space<vmem_shared>>) dst(%arg11 : memref<512x32xbf16, #tpu.memory_space<vmem>>)
      tpu.yield
    }) : () -> ()
    %scan3A_71 = arith.constant 0 : i32
    %scan3A_72 = arith.constant 0 : i32
    %scan3A_73 = arith.constant 128 : i32
    %scan3A_74 = arith.addi %scan3A_72, %scan3A_73 : i32
    %scan3A_75 = arith.constant 1 : i32
    scf.for %scan3A_79 = %scan3A_72 to %scan3A_74 step %scan3A_75  : i32 {
      %mul3A_80 = arith.constant 4 : i32
      %mul3A_81 = arith.muli %scan3A_79, %mul3A_80 : i32
      %add3A_82 = arith.constant 0 : i32
      %add3A_83 = arith.addi %mul3A_81, %add3A_82 : i32
      %get3A = arith.index_cast %add3A_83 : i32 to index
      %get3A_84 = arith.constant 0 : index
      %get3A_85 = tpu.vector_load %arg11[%get3A, %get3A_84] {strides = array<i32>} : memref<512x32xbf16, #tpu.memory_space<vmem>>, vector<32xbf16>,
      %swap3A = arith.index_cast %scan3A_79 : i32 to index
      %swap3A_86 = arith.constant 0 : index
      %swap3A_87 = tpu.vector_load %arg10[%swap3A, %swap3A_86] {strides = array<i32>} : memref<128x128xbf16, #tpu.memory_space<vmem>>, vector<32xbf16>,
      tpu.vector_store %arg10[%swap3A, %swap3A_86], %get3A_85 {strides = array<i32>} : memref<128x128xbf16, #tpu.memory_space<vmem>>, vector<32xbf16>,
      %add3A_88 = arith.constant 1 : i32
      %add3A_89 = arith.addi %mul3A_81, %add3A_88 : i32
      %get3A_90 = arith.index_cast %add3A_89 : i32 to index
      %get3A_91 = arith.constant 0 : index
      %get3A_92 = tpu.vector_load %arg11[%get3A_90, %get3A_91] {strides = array<i32>} : memref<512x32xbf16, #tpu.memory_space<vmem>>, vector<32xbf16>,
      %swap3A_93 = arith.index_cast %scan3A_79 : i32 to index
      %swap3A_94 = arith.constant 32 : index
      %swap3A_95 = tpu.vector_load %arg10[%swap3A_93, %swap3A_94] {strides = array<i32>} : memref<128x128xbf16, #tpu.memory_space<vmem>>, vector<32xbf16>,
      tpu.vector_store %arg10[%swap3A_93, %swap3A_94], %get3A_92 {strides = array<i32>} : memref<128x128xbf16, #tpu.memory_space<vmem>>, vector<32xbf16>,
      %add3A_96 = arith.constant 2 : i32
      %add3A_97 = arith.addi %mul3A_81, %add3A_96 : i32
      %get3A_98 = arith.index_cast %add3A_97 : i32 to index
      %get3A_99 = arith.constant 0 : index
      %get3A_100 = tpu.vector_load %arg11[%get3A_98, %get3A_99] {strides = array<i32>} : memref<512x32xbf16, #tpu.memory_space<vmem>>, vector<32xbf16>,
      %swap3A_101 = arith.index_cast %scan3A_79 : i32 to index
      %swap3A_102 = arith.constant 64 : index
      %swap3A_103 = tpu.vector_load %arg10[%swap3A_101, %swap3A_102] {strides = array<i32>} : memref<128x128xbf16, #tpu.memory_space<vmem>>, vector<32xbf16>,
      tpu.vector_store %arg10[%swap3A_101, %swap3A_102], %get3A_100 {strides = array<i32>} : memref<128x128xbf16, #tpu.memory_space<vmem>>, vector<32xbf16>,
      %add3A_104 = arith.constant 3 : i32
      %add3A_105 = arith.addi %mul3A_81, %add3A_104 : i32
      %get3A_106 = arith.index_cast %add3A_105 : i32 to index
      %get3A_107 = arith.constant 0 : index
      %get3A_108 = tpu.vector_load %arg11[%get3A_106, %get3A_107] {strides = array<i32>} : memref<512x32xbf16, #tpu.memory_space<vmem>>, vector<32xbf16>,
      %swap3A_109 = arith.index_cast %scan3A_79 : i32 to index
      %swap3A_110 = arith.constant 96 : index
      %swap3A_111 = tpu.vector_load %arg10[%swap3A_109, %swap3A_110] {strides = array<i32>} : memref<128x128xbf16, #tpu.memory_space<vmem>>, vector<32xbf16>,
      tpu.vector_store %arg10[%swap3A_109, %swap3A_110], %get3A_108 {strides = array<i32>} : memref<128x128xbf16, #tpu.memory_space<vmem>>, vector<32xbf16>,
    }
    %scan3A_76 = arith.constant 128 : i32
    %add3A_77 = arith.constant 512 : i32
    %add3A_78 = arith.addi %mul3A_28, %add3A_77 : i32
    "tpu.region"() ({
      %run_scoped3A = tpu.sem_alloc : memref<!tpu.dma_semaphore, #tpu.memory_space<semaphore_mem>>
      %dma_start3A = arith.constant 0 : i32
      %dma_start3A_79 = arith.constant 0 : i32
      %dma_start3A_80 = tpu.memref_slice %arg10[%dma_start3A, %dma_start3A_79] : memref<128x128xbf16, #tpu.memory_space<vmem>> -> memref<128x128xbf16, #tpu.memory_space<vmem>>
      %dma_start3A_81 = arith.constant 0 : i32
      %dma_start3A_82 = tpu.memref_slice %arg6[%arg0, %add3A_78, %dma_start3A_81] : memref<2x10240x128xbf16, #tpu.memory_space<hbm>> -> memref<1x128x128xbf16, #tpu.memory_space<hbm>>
      %dma_start3A_83 = tpu.memref_squeeze %dma_start3A_82 : memref<1x128x128xbf16, #tpu.memory_space<hbm>> -> memref<128x128xbf16, #tpu.memory_space<hbm>>
      %dma_start3A_84 = arith.constant 0 : i32
      %dma_start3A_85 = tpu.memref_slice %arg6[%arg0, %add3A_78, %dma_start3A_84] : memref<2x10240x128xbf16, #tpu.memory_space<hbm>> -> memref<1x128x128xbf16, #tpu.memory_space<hbm>>
      %dma_start3A_86 = tpu.memref_squeeze %dma_start3A_85 : memref<1x128x128xbf16, #tpu.memory_space<hbm>> -> memref<128x128xbf16, #tpu.memory_space<hbm>>
      %dma_start3A_87 = arith.constant 0 : i32
      %dma_start3A_88 = arith.constant 0 : i32
      %dma_start3A_89 = tpu.memref_slice %arg10[%dma_start3A_87, %dma_start3A_88] : memref<128x128xbf16, #tpu.memory_space<vmem>> -> memref<128x128xbf16, #tpu.memory_space<vmem>>
      tpu.enqueue_dma source(%dma_start3A_89 : memref<128x128xbf16, #tpu.memory_space<vmem>>) target(%dma_start3A_86 : memref<128x128xbf16, #tpu.memory_space<hbm>>) target_semaphore(%run_scoped3A : memref<!tpu.dma_semaphore, #tpu.memory_space<semaphore_mem>>)
      %dma_wait3A = arith.constant 0 : i32
      %dma_wait3A_90 = arith.constant 0 : i32
      %dma_wait3A_91 = tpu.memref_slice %arg10[%dma_wait3A, %dma_wait3A_90] : memref<128x128xbf16, #tpu.memory_space<vmem>> -> memref<128x128xbf16, #tpu.memory_space<vmem>>
      %dma_wait3A_92 = arith.constant 0 : i32
      %dma_wait3A_93 = tpu.memref_slice %arg6[%arg0, %add3A_78, %dma_wait3A_92] : memref<2x10240x128xbf16, #tpu.memory_space<hbm>> -> memref<1x128x128xbf16, #tpu.memory_space<hbm>>
      %dma_wait3A_94 = tpu.memref_squeeze %dma_wait3A_93 : memref<1x128x128xbf16, #tpu.memory_space<hbm>> -> memref<128x128xbf16, #tpu.memory_space<hbm>>
      %dma_wait3A_95 = arith.constant 0 : i32
      %dma_wait3A_96 = tpu.memref_slice %arg6[%arg0, %add3A_78, %dma_wait3A_95] : memref<2x10240x128xbf16, #tpu.memory_space<hbm>> -> memref<1x128x128xbf16, #tpu.memory_space<hbm>>
      %dma_wait3A_97 = tpu.memref_squeeze %dma_wait3A_96 : memref<1x128x128xbf16, #tpu.memory_space<hbm>> -> memref<128x128xbf16, #tpu.memory_space<hbm>>
      %dma_wait3A_98 = arith.constant 0 : i32
      %dma_wait3A_99 = arith.constant 0 : i32
      %dma_wait3A_100 = tpu.memref_slice %arg10[%dma_wait3A_98, %dma_wait3A_99] : memref<128x128xbf16, #tpu.memory_space<vmem>> -> memref<128x128xbf16, #tpu.memory_space<vmem>>
      tpu.wait_dma2 semaphore(%run_scoped3A : memref<!tpu.dma_semaphore, #tpu.memory_space<semaphore_mem>>) src(%dma_wait3A_100 : memref<128x128xbf16, #tpu.memory_space<vmem>>) dst(%dma_wait3A_97 : memref<128x128xbf16, #tpu.memory_space<hbm>>)
      tpu.yield
    }) : () -> ()
    return
  }
}

module attributes {stable_mosaic.version = 14 : i64} {
  func.func @_matmul_block(%arg0: i32, %arg1: memref<1000x128xf32, #tpu.memory_space<vmem>>, %arg2: memref<128x128xf32, #tpu.memory_space<vmem>>, %arg3: memref<1x128xf32, #tpu.memory_space<vmem>>, %arg4: memref<1000x128xbf16, #tpu.memory_space<vmem>>) attributes {dimension_semantics = [#tpu.dimension_semantics<arbitrary>], iteration_bounds = array<i64: 10>, scalar_prefetch = 0 : i64, scratch_operands = 0 : i64, tpu.core_type = #tpu.core_type<tc>, window_params = [{transform_indices = @transform_0, window_bounds = array<i64: 1000, 128>}, {pipeline_mode = #tpu.pipeline_mode<synchronous>, transform_indices = @transform_1, window_bounds = array<i64: 128, 128>}, {pipeline_mode = #tpu.pipeline_mode<synchronous>, transform_indices = @transform_2, window_bounds = array<i64: 1, 128>}, {transform_indices = @transform_3, window_bounds = array<i64: 1000, 128>}]} {
    %get3A = arith.constant 0 : index
    %get3A_0 = arith.constant 0 : index
    %get3A_1 = vector.load %arg1[%get3A, %get3A_0] : memref<1000x128xf32, #tpu.memory_space<vmem>>, vector<1000x128xf32>
    %get3A_2 = arith.constant 0 : index
    %get3A_3 = arith.constant 0 : index
    %get3A_4 = vector.load %arg2[%get3A_2, %get3A_3] : memref<128x128xf32, #tpu.memory_space<vmem>>, vector<128x128xf32>
    %dot_general3A = arith.constant dense<0.000000e+00> : vector<1000x128xf32>
    %dot_general3A_5 = tpu.matmul %get3A_1, %get3A_4, %dot_general3A {dimension_numbers = #tpu.dot_dimension_numbers<[1], [1], [0], [0], [0, 0, 1, 0], [], []>, transpose_lhs_hint = false} : vector<1000x128xf32>, vector<128x128xf32>, vector<1000x128xf32> -> vector<1000x128xf32>
    %get3A_6 = arith.constant 0 : index
    %get3A_7 = arith.constant 0 : index
    %get3A_8 = vector.load %arg3[%get3A_6, %get3A_7] : memref<1x128xf32, #tpu.memory_space<vmem>>, vector<1x128xf32>
    %add3A = vector.broadcast %get3A_8 : vector<1x128xf32> to vector<1000x128xf32>
    %add3A_9 = arith.addf %dot_general3A_5, %add3A : vector<1000x128xf32>
    %convert_element_type3A = arith.truncf %add3A_9 : vector<1000x128xf32> to vector<1000x128xbf16>
    %swap3A = arith.constant 0 : index
    %swap3A_10 = arith.constant 0 : index
    %swap3A_11 = vector.load %arg4[%swap3A, %swap3A_10] : memref<1000x128xbf16, #tpu.memory_space<vmem>>, vector<1000x128xbf16>
    tpu.vector_store %arg4[%swap3A, %swap3A_10], %convert_element_type3A {strides = array<i32>} : memref<1000x128xbf16, #tpu.memory_space<vmem>>, vector<1000x128xbf16>,
    return
  }
  func.func @transform_0(%arg0: i32) -> (i32, i32) {
    %c0_i32 = arith.constant 0 : i32
    %c0_i32_0 = arith.constant 0 : i32
    return %arg0, %c0_i32 : i32, i32
  }
  func.func @transform_1(%arg0: i32) -> (i32, i32) {
    %c0_i32 = arith.constant 0 : i32
    %c0_i32_0 = arith.constant 0 : i32
    %c0_i32_1 = arith.constant 0 : i32
    return %c0_i32, %c0_i32_0 : i32, i32
  }
  func.func @transform_2(%arg0: i32) -> (i32, i32) {
    %c0_i32 = arith.constant 0 : i32
    %c0_i32_0 = arith.constant 0 : i32
    %c0_i32_1 = arith.constant 0 : i32
    return %c0_i32, %c0_i32_0 : i32, i32
  }
  func.func @transform_3(%arg0: i32) -> (i32, i32) {
    %c0_i32 = arith.constant 0 : i32
    %c0_i32_0 = arith.constant 0 : i32
    return %arg0, %c0_i32 : i32, i32
  }
}

module attributes {stable_mosaic.version = 14 : i64} {
  func.func @_add_block(%arg0: i32, %arg1: memref<2x1000x128xbf16, #tpu.memory_space<vmem>>, %arg2: memref<1000x128xf32, #tpu.memory_space<vmem>>) attributes {dimension_semantics = [#tpu.dimension_semantics<arbitrary>], iteration_bounds = array<i64: 10>, scalar_prefetch = 0 : i64, scratch_operands = 0 : i64, tpu.core_type = #tpu.core_type<tc>, window_params = [{transform_indices = @transform_0, window_bounds = array<i64: 2, 1000, 128>}, {transform_indices = @transform_1, window_bounds = array<i64: 1000, 128>}]} {
    %get3A = arith.constant 0 : index
    %get3A_0 = arith.constant 0 : index
    %get3A_1 = arith.constant 0 : index
    %get3A_2 = vector.load %arg1[%get3A, %get3A_0, %get3A_1] : memref<2x1000x128xbf16, #tpu.memory_space<vmem>>, vector<1x1000x128xbf16>
    %get3A_3 = vector.shape_cast %get3A_2 : vector<1x1000x128xbf16> to vector<1000x128xbf16>
    %convert_element_type3A = arith.extf %get3A_3 : vector<1000x128xbf16> to vector<1000x128xf32>
    %get3A_4 = arith.constant 1 : index
    %get3A_5 = arith.constant 0 : index
    %get3A_6 = arith.constant 0 : index
    %get3A_7 = vector.load %arg1[%get3A_4, %get3A_5, %get3A_6] : memref<2x1000x128xbf16, #tpu.memory_space<vmem>>, vector<1x1000x128xbf16>
    %get3A_8 = vector.shape_cast %get3A_7 : vector<1x1000x128xbf16> to vector<1000x128xbf16>
    %convert_element_type3A_9 = arith.extf %get3A_8 : vector<1000x128xbf16> to vector<1000x128xf32>
    %add3A = arith.addf %convert_element_type3A, %convert_element_type3A_9 : vector<1000x128xf32>
    %swap3A = arith.constant 0 : index
    %swap3A_10 = arith.constant 0 : index
    %swap3A_11 = vector.load %arg2[%swap3A, %swap3A_10] : memref<1000x128xf32, #tpu.memory_space<vmem>>, vector<1000x128xf32>
    tpu.vector_store %arg2[%swap3A, %swap3A_10], %add3A {strides = array<i32>} : memref<1000x128xf32, #tpu.memory_space<vmem>>, vector<1000x128xf32>,
    return
  }
  func.func @transform_0(%arg0: i32) -> (i32, i32, i32) {
    %c0_i32 = arith.constant 0 : i32
    %c0_i32_0 = arith.constant 0 : i32
    %c0_i32_1 = arith.constant 0 : i32
    return %c0_i32, %arg0, %c0_i32_0 : i32, i32, i32
  }
  func.func @transform_1(%arg0: i32) -> (i32, i32) {
    %c0_i32 = arith.constant 0 : i32
    %c0_i32_0 = arith.constant 0 : i32
    return %arg0, %c0_i32 : i32, i32
  }
}

</mosaic_0001>

<sc_bundles>
// kernel: kernel.5.cloned.1.call-start
scs
__scs_entry_jumppad:
0x0: {  	(pc) =	sbr.rel $0x88, $3  }
0x1: {  	(tag) =	ssettag $0x0;
	lr =	simm.s32 $0x1  }
0x2: {  	[smem:$0x3F9C] =	sst lr;
	_ =	strace $0xD0000000  }
0x3: {  	_ = 	snop  }
0x4: {  	_ = 	snop  }
0x5: {  	_ = 	snop  }
0x6: {  	_ = 	snop  }
0x7: {  	_ = 	snop  }
__scs_overlays_trampoline_lowered:
0x8: {  	[smem:$0x3FAB] =	sst s0  }
0x9: {  	[smem:$0x3FAC] =	sst s1  }
0xa: {  	[smem:$0x3FAD] =	sst s2  }
0xb: {  	[smem:$0x3FAE] =	sst s3  }
0xc: {  	[smem:$0x3FAF] =	sst s4  }
0xd: {  	[smem:$0x3FB0] =	sst s5  }
0xe: {  	[smem:$0x3FB1] =	sst s6  }
0xf: {  	[smem:$0x3FB2] =	sst s7  }
0x10: {  	[smem:$0x3FB3] =	sst s8  }
0x11: {  	[smem:$0x3FB4] =	sst s9;
	s0 =	simm.s32 @!p0 $0x0  }
0x12: {  	s1 =	sld [smem:$0x3F9A];
	s0 =	simm.s32 @p0 $0x1  }
0x13: {  	[smem:$0x3FB5] =	sst s0;
	s0 =	simm.s32 @!p1 $0x0  }
0x14: {  	s2 =	sld [smem:$0x3F99];
	s0 =	simm.s32 @p1 $0x1  }
0x15: {  	[smem:$0x3FB6] =	sst s0;
	s0 =	simm.s32 @!p2 $0x0  }
0x16: {  	s3 =	sld [smem:$0x3FDB];
	s0 =	simm.s32 @p2 $0x1  }
0x17: {  	s4 =	simm.s32 $0x1BF5;
	[smem:$0x3FB8] =	sst s0  }
0x18: {  	s0 =	sld [smem:$0x3F9B];
	_ =	swait.ge [sflag:s4], $0x0  }
0x19: {  	s7 =	sld [smem:$0x3F9C]  }
0x1a: {  	s8 =	sadd.s32 $0xFFFFE003, lr  }
0x1b: {  	s9 =	sadd.s32 $0xFFFFFEF7, lr;
	s5 =	simm.s32 $0xFFFFFFFF;
	p2 =	slt.u32 s8, $0xFFFFF086  }
0x1c: {  	p1 =	slt.u32 s9, $0xF7A;
	s5 =	simm.s32 @!p2 $0x0  }
0x1d: {  	s5 =	simm.s32 @p1 $0x1;
	p0 =	seq.s32 s7, s2  }
0x1e: {  	s7 =	smul.u32 @!p0 $0xF7A, s2;
	p2 =	seq.s32 @!p0 s5, $0x0  }
0x1f: {  	s9 =	smul.u32 $0xF7A, s1;
	s8 =	simm.s32 @!p0 $0x1BF5;
	p2 =	por !p2, p0  }
0x20: {  	[sflag:s8] =	ssyncset.s32 @!p0 $0xFFFFF086;
	s6 =	sadd.s32 @!p0 s3, s7;
	s7 =	simm.s32 @!p0 $0x108  }
0x21: {  	s3 =	sadd.s32 s3, s9;
	s6 =	sadd.s32 @!p0 $0x88, s6;
	s7 =	simm.s32 @p2 $0x1082  }
0x22: {  	[simem:s7], [sflag:s8] =	dma.local @!p0 [hbm:s6], $0xF7A  }
0x23: {  	s9 =	sor.u32 $0xD0000000, s2;
	s6 =	simm.s32 $0x108;
	_ =	swait.ge @!p0 [sflag:s8], $0x0  }
0x24: {  	s3 =	sadd.s32 $0x88, s3;
	s6 =	simm.s32 @!p1 $0x1082;
	[sflag:s4] =	ssyncset.s32 $0xFFFFF086  }
0x25: {  	[simem:s6], [sflag:s4] =	dma.local [hbm:s3], $0xF7A  }
0x26: {  	[smem:$0x3F9C] =	sst s1;
	(tag) =	ssettag s2;
	_ =	strace s9  }
0x27: {  	s1 =	sld [smem:$0x3FAC]  }
0x28: {  	s2 =	sld [smem:$0x3FAD]  }
0x29: {  	s4 =	sld [smem:$0x3FAF]  }
0x2a: {  	p0 =	seq.s32 s5, $0x0;
	s5 =	sld [smem:$0x3FB0]  }
0x2b: {  	s6 =	sld [smem:$0x3FB1]  }
0x2c: {  	s7 =	sld [smem:$0x3FB2]  }
0x2d: {  	s3 =	simm.s32 $0x108;
	s8 =	sld [smem:$0x3FB3]  }
0x2e: {  	s3 =	simm.s32 @!p0 $0x1082;
	s9 =	sld [smem:$0x3FB4]  }
0x2f: {  	lr =	sadd.s32 s0, s3;
	s0 =	sld [smem:$0x3FAB]  }
0x30: {  	s3 =	sld [smem:$0x3FAE]  }
0x31: {  	[smem:$0x3FB7] =	sst s10  }
0x32: {  	s10 =	sld [smem:$0x3FB5];
	_ =	sdelay $0x3  }
0x33: {  	p0 =	seq.s32 s10, $0x1;
	s10 =	sld [smem:$0x3FB7];
	_ =	sdelay $0x3  }
0x34: {  	[smem:$0x3FB7] =	sst s10  }
0x35: {  	s10 =	sld [smem:$0x3FB6];
	_ =	sdelay $0x3  }
0x36: {  	p1 =	seq.s32 s10, $0x1;
	s10 =	sld [smem:$0x3FB7];
	_ =	sdelay $0x3  }
0x37: {  	[smem:$0x3FB7] =	sst s10  }
0x38: {  	s10 =	sld [smem:$0x3FB8]  }
0x39: {  	_ = 	snop;
	(pc) =	sbr.ind lr, $3  }
0x3a: {  	_ = 	snop  }
0x3b: {  	_ = 	snop  }
0x3c: {  	p2 =	seq.s32 s10, $0x1;
	s10 =	sld [smem:$0x3FB7]  }
0x3d: {  	_ =	shalt  }
0x3e: {  	_ =	shalt  }
0x3f: {  	_ =	shalt  }
0x40: {  	_ =	shalt  }
0x41: {  	_ =	shalt  }
0x42: {  	_ =	shalt  }
0x43: {  	_ =	shalt  }
0x44: {  	_ =	shalt  }
0x45: {  	_ =	shalt  }
0x46: {  	_ =	shalt  }
0x47: {  	_ =	shalt  }
0x48: {  	_ =	shalt  }
0x49: {  	_ =	shalt  }
0x4a: {  	_ =	shalt  }
0x4b: {  	_ =	shalt  }
0x4c: {  	_ =	shalt  }
0x4d: {  	_ =	shalt  }
0x4e: {  	_ =	shalt  }
0x4f: {  	_ =	shalt  }
0x50: {  	_ =	shalt  }
0x51: {  	_ =	shalt  }
0x52: {  	_ =	shalt  }
0x53: {  	_ =	shalt  }
0x54: {  	_ =	shalt  }
0x55: {  	_ =	shalt  }
0x56: {  	_ =	shalt  }
0x57: {  	_ =	shalt  }
0x58: {  	_ =	shalt  }
0x59: {  	_ =	shalt  }
0x5a: {  	_ =	shalt  }
0x5b: {  	_ =	shalt  }
0x5c: {  	_ =	shalt  }
0x5d: {  	_ =	shalt  }
0x5e: {  	_ =	shalt  }
0x5f: {  	_ =	shalt  }
0x60: {  	_ =	shalt  }
0x61: {  	_ =	shalt  }
0x62: {  	_ =	shalt  }
0x63: {  	_ =	shalt  }
0x64: {  	_ =	shalt  }
0x65: {  	_ =	shalt  }
0x66: {  	_ =	shalt  }
0x67: {  	_ =	shalt  }
0x68: {  	_ =	shalt  }
0x69: {  	_ =	shalt  }
0x6a: {  	_ =	shalt  }
0x6b: {  	_ =	shalt  }
0x6c: {  	_ =	shalt  }
0x6d: {  	_ =	shalt  }
0x6e: {  	_ =	shalt  }
0x6f: {  	_ =	shalt  }
0x70: {  	_ =	shalt  }
0x71: {  	_ =	shalt  }
0x72: {  	_ =	shalt  }
0x73: {  	_ =	shalt  }
0x74: {  	_ =	shalt  }
0x75: {  	_ =	shalt  }
0x76: {  	_ =	shalt  }
0x77: {  	_ =	shalt  }
0x78: {  	_ =	shalt  }
0x79: {  	_ =	shalt  }
0x7a: {  	_ =	shalt  }
0x7b: {  	_ =	shalt  }
0x7c: {  	_ =	shalt  }
0x7d: {  	_ =	shalt  }
0x7e: {  	_ =	shalt  }
0x7f: {  	_ =	shalt  }
0x80: {  	_ =	shalt  }
0x81: {  	_ =	shalt  }
0x82: {  	_ =	shalt  }
0x83: {  	_ =	shalt  }
0x84: {  	_ =	shalt  }
0x85: {  	_ =	shalt  }
0x86: {  	_ =	shalt  }
0x87: {  	_ =	shalt  }
.Lfunc_end0:
.L_simem_size_0:
called_computation_lowered:
.L_overlay_start_0:
0x88: {  	s2 =	sld [smem:$0x3FD9]  }
0x89: {  	s3 =	sld [smem:$0x3FFE];
	_ =	sdelay $0x1  }
0x8a: {  	s1 =	srdreg.scid  }
0x8b: {  	s0 =	sand.u32 $0x1, s1  }
0x8c: {  	s17 =	sshll.u32 s0, $0xA;
	s2 =	sadd.s32 s3, s2  }
0x8d: {  	s2 =	sadd.s32 s2, s17  }
0x8e: {  	[smem:$0x3FC3] =	sst s2  }
0x8f: {  	_ = 	snop  }
0x90: {  	s2 =	sld [smem:$0x3FD0];
	(tm) =	ssettm $0x1  }
0x91: {  	s18 =	sld [smem:$0x3FFB];
	_ =	sdelay $0x3  }
0x92: {  	_ =	strace s18  }
0x93: {  	s3 =	sld [smem:$0x3FFC];
	_ =	sdelay $0x3  }
0x94: {  	_ =	strace s3  }
0x95: {  	s3 =	sld [smem:$0x3FFD];
	_ =	sdelay $0x3  }
0x96: {  	_ =	strace s3  }
0x97: {  	_ =	strace $0x8FFFFFFF  }
0x98: {  	s19 =	sld [smem:$0x3FDB];
	_ =	sdelay $0x1  }
0x99: {  	s4 =	simm.s32 $_scs_section_size  }
0x9a: {  	s5 =	simm.s32 $_size__tile_overlayer_lowered;
	s6 =	simm.s32 $_tile_overlayer_lowered  }
0x9b: {  	s22 =	simm.s32 $0x1BFF;
	s21 =	sshll.u32 s6, $0x1;
	s3 =	sadd.s32 s4, s19  }
0x9c: {  	s7 =	simm.s32 $0x0;
	s20 =	sshll.u32 s5, $0x1;
	s5 =	sadd.s32 s21, s3  }
0x9d: {  	[timem:s7], [sflag:s22] =	dma.local [hbm:s5], s20  }
0x9e: {  	_ =	swait.ge [sflag:s22], s20  }
0x9f: {  	s4 =	ssub.s32 $0x0, s20;
	[sflag:s22] =	ssyncset.done $0x0  }
0xa0: {  	[sflag:s22] =	ssyncadd.s32 s4;
	_ =	sdelay $0x1  }
0xa1: {  	s23 =	simm.s32 $0x1B8B  }
0xa2: {  	_ =	swait.ge [sflag:s23], $0x1  }
0xa3: {  	[sflag:s23] =	ssyncset.done $0x0  }
0xa4: {  	s25 =	simm.s32 $0x1B8E;
	s24 =	sld [smem:$0x3FFE];
	[sflag:s23] =	ssyncadd.s32 $0xFFFFFFFF  }
0xa5: {  	s26 =	simm.s32 $execute0_lowered;
	[smem:$0x3FD2] =	sst s25  }
0xa6: {  	s5 =	sshll.u32 s26, $0x1;
	_ =	strace $0x80000046;
	[dreg:$0x1] =	wrdreg $0xFFFFFFFF  }
0xa7: {  	s28 =	simm.s32 $_size_execute0_lowered;
	s3 =	sadd.s32 s3, s5;
	[dreg:$0x0] =	wrdreg $0x0  }
0xa8: {  	s5 =	sshll.u32 s28, $0x1;
	[dreg:$0x2] =	wrdreg s3  }
0xa9: {  	[dreg:$0x3] =	wrdreg s5  }
0xaa: {  	[dreg:$0x4] =	wrdreg $0xC0  }
0xab: {  	_ =	task [dreg:s7], $0x5FFFF  }
0xac: {  	[dreg:$0x1] =	wrdreg $0xFFFFFFFF  }
0xad: {  	[dreg:$0x0] =	wrdreg $0x60  }
0xae: {  	[dreg:$0x2] =	wrdreg s2  }
0xaf: {  	[dreg:$0x3] =	wrdreg s24  }
0xb0: {  	[dreg:$0x4] =	wrdreg $0x4A800  }
0xb1: {  	[dreg:$0x5] =	wrdreg $0x9  }
0xb2: {  	_ =	task.clear_ibuf [dreg:s7], $0x6FFFF;
	_ =	strace $0x90000046  }
0xb3: {  	s29 =	simm.s32 $0x9;
	_ =	strace $0x80000048  }
0xb4: {  	_ =	swait.ge [sflag:s29], $0x1  }
0xb5: {  	[sflag:s29] =	ssyncadd.s32 $0xFFFFFFFF  }
0xb6: {  	_ =	strace $0x90000048  }
0xb7: {  	_ =	sfence  }
0xb8: {  	s30 =	sld [smem:$0x0];
	_ =	sdelay $0x2  }
0xb9: {  	s31 =	sshll.u32 s1, $0xD;
	s1 =	sshrl.u32 s1, $0x2  }
0xba: {  	s3 =	sand.u32 $0x4000, s31;
	s1 =	sadd.s32 s1, s30  }
0xbb: {  	s0 =	sor.u32 s3, s0;
	s1 =	sshll.u32 s1, $0x11  }
0xbc: {  	s0 =	sor.u32 s1, s0  }
0xbd: {  	s0 =	sadd.s32 $0x8F2B, s0  }
0xbe: {  	[sflag:s0] =	ssyncadd.remote.s32 $0x1  }
0xbf: {  	_ =	sfence.sel $0xFFFF  }
0xc0: {  	[dreg:$0x0] =	wrdreg $0xFFFFFFFF;
	(pc) =	sbr.abs _section_cstart, $3  }
0xc1: {  	[dreg:$0x1] =	wrdreg $0xFFFFFFFF  }
0xc2: {  	_ =	task.clear_ibuf [dreg:s7], $0x2FFFF;
	_ =	strace $0x9FFFFFFF  }
0xc3: {  	(tm) =	ssettm $0x7FFFFFFF  }
tec
execute0_lowered:
.L_overlay_start_1:
0x0: {  	(tag) =	ssettag $0x1  }
0x1: {  	s0 =	rddreg [dreg:$0x0]  }
0x2: {  	s1 =	rddreg [dreg:$0x1]  }
0x3: {  	s2 =	srdreg.scid;
	s3 =	rddreg [dreg:$0x2]  }
0x4: {  	s11 =	stileid.u32;
	s4 =	simm.s32 $0x0;
	s20 =	simm.s32 $0x2A80  }
0x5: {  	s21 =	simm.s32 $0x2;
	s22 =	simm.s32 $0x80;
	s23 =	simm.s32 $0xA80  }
0x6: {  	s24 =	simm.s32 $0x1;
	s25 =	simm.s32 $0x200;
	s7 =	smul.u32 $0x14000, s11  }
0x7: {  	s26 =	simm.s32 $0x0;
	s2 =	sand.u32 $0x1, s2;
	s9 =	smul.u32 $0x28000, s11  }
0x8: {  	[smem:$0x7FF] =	sst s4;
	s5 =	sadd.s32 $0xA00, s1;
	s6 =	smul.u32 $0x140000, s2  }
0x9: {  	_ =	strace $0x80000047;
	s31 =	ssub.s32 $0x2, s2;
	s2 =	sshll.u32 s2, $0x4  }
0xa: {  	s10 =	sshrl.u32 s31, $0x1;
	s9 =	sshrl.u32 s9, $0x2;
	s2 =	sor.u32 s11, s2  }
0xb: {  	s7 =	sadd.s32 s7, s6;
	s6 =	sadd.s32 $0x4FA800, s1;
	s19 =	ssub.s32 s31, s10  }
0xc: {  	s8 =	sshrl.u32 s7, $0x4;
	s7 =	sadd.s32 $0x522000, s1;
	s19 =	smax.u32 s19, $0x1  }
0xd: {  	s1 =	sadd.s32 s8, s1;
	s8 =	sadd.s32 s9, s3;
	s9 =	smul.u32 $0x2780, s2  }
0xe: {  	s10 =	sadd.s32 $0x2000, s8;
	s11 =	sadd.s32 $0x4000, s8;
	s12 =	sadd.s32 $0x6000, s8  }
0xf: {  	s13 =	sadd.s32 $0x8000, s8;
	s14 =	sadd.s32 $0xA800, s1;
	s15 =	sadd.s32 $0xAC00, s1  }
0x10: {  	v0 =	vimm.bf16 $0.0e+00;
	s16 =	sadd.s32 $0xB000, s1;
	s17 =	sadd.s32 $0xB400, s1;
	s18 =	sadd.s32 $0xB800, s1  }
.LBB2_1:
0x11: {  	s1 =	simm.s32 $0x40;
	s2 =	simm.s32 $0x0  }
.LBB2_2:
0x12: {  	p0 =	sne.s32 s1, $0x7FC0;
	[tilespmem:s2+$0x2A80] =	vst v0;
	s2 =	smov.u32 s1;
	s1 =	sadd.s32 $0x40, s1  }
.Ltmp0:
0x13: {  	(pc) =	sbr.rel @p0 .LBB2_2-.Ltmp0, $2  }
0x14: {  	_ =	sdelay $0x2  }
0x15: {  	s2 =	sshra.s32 s2, $0x2  }
0x16: {  	[tilespmem:s2+$0x2A80] =	vst v0  }
0x17: {  	[spmem:s8] =	stream.linear.scatter [tilespmem:s20], [sflag:$0x2], $0x2000, $0x38;
	[tilespmem:$0xEA80] =	vst v63  }
0x18: {  	_ =	swait.ge [sflag:s21], $0x2000  }
0x19: {  	[sflag:s21] =	ssyncset.done $0x0  }
0x1a: {  	[sflag:s21] =	ssyncadd.s32 $0xFFFFE000  }
0x1b: {  	[spmem:s10] =	stream.linear.scatter [tilespmem:s20], [sflag:$0x2], $0x2000, $0x38;
	[tilespmem:$0xEA80] =	vst v63  }
0x1c: {  	_ =	swait.ge [sflag:s21], $0x2000  }
0x1d: {  	[sflag:s21] =	ssyncset.done $0x0  }
0x1e: {  	[sflag:s21] =	ssyncadd.s32 $0xFFFFE000  }
0x1f: {  	[spmem:s11] =	stream.linear.scatter [tilespmem:s20], [sflag:$0x2], $0x2000, $0x38;
	[tilespmem:$0xEA80] =	vst v63  }
0x20: {  	_ =	swait.ge [sflag:s21], $0x2000  }
0x21: {  	[sflag:s21] =	ssyncset.done $0x0  }
0x22: {  	[sflag:s21] =	ssyncadd.s32 $0xFFFFE000  }
0x23: {  	[spmem:s12] =	stream.linear.scatter [tilespmem:s20], [sflag:$0x2], $0x2000, $0x38;
	[tilespmem:$0xEA80] =	vst v63  }
0x24: {  	_ =	swait.ge [sflag:s21], $0x2000  }
0x25: {  	[sflag:s21] =	ssyncset.done $0x0  }
0x26: {  	[sflag:s21] =	ssyncadd.s32 $0xFFFFE000  }
0x27: {  	[spmem:s13] =	stream.linear.scatter [tilespmem:s20], [sflag:$0x2], $0x2000, $0x38;
	[tilespmem:$0xEA80] =	vst v63  }
0x28: {  	_ =	swait.ge [sflag:s21], $0x2000  }
0x29: {  	[sflag:s21] =	ssyncset.done $0x0  }
0x2a: {  	[sflag:s21] =	ssyncadd.s32 $0xFFFFE000  }
0x2b: {  	s28 =	simm.s32 $0x0;
	s29 =	simm.s32 $0x0;
	[bflag:$0x0] =	sbarrier.arrive $0xFFFF  }
.LBB2_4:
0x2c: {  	s1 =	sshll.u32 s29, $0x7  }
0x2d: {  	s1 =	sadd.s32 s9, s1  }
0x2e: {  	s2 =	sshrl.u32 s1, $0x3  }
0x2f: {  	s2 =	sadd.s32 s5, s2  }
0x30: {  	[tilespmem:s28], [sflag:$0x2] =	stream.linear.gather [hbm4b:s2+s28], $0x80, $0x38;
	[tilespmem:$0xEA80] =	vst v63  }
0x31: {  	_ =	swait.ge [sflag:s21], $0x80  }
0x32: {  	s2 =	sshrl.u32 s1, $0x1;
	[sflag:s21] =	ssyncset.done $0x0  }
0x33: {  	s2 =	sadd.s32 s6, s2;
	[sflag:s21] =	ssyncadd.s32 $0xFFFFFF80  }
0x34: {  	[tilespmem:s22], [sflag:$0x2] =	stream.linear.gather [hbm4b:s2+s28], $0x200, $0x38;
	[tilespmem:$0xEA80] =	vst v63  }
0x35: {  	_ =	swait.ge [sflag:s21], $0x200  }
0x36: {  	s1 =	sshll.u32 s1, $0x1;
	[sflag:s21] =	ssyncset.done $0x0  }
0x37: {  	s30 =	simm.s32 $0x280;
	s1 =	sadd.s32 s7, s1;
	[sflag:s21] =	ssyncadd.s32 $0xFFFFFE00  }
0x38: {  	[tilespmem:s30], [sflag:$0x2] =	stream.linear.gather [hbm4b:s1+s28], $0x800, $0x38;
	[tilespmem:$0xEA80] =	vst v63  }
0x39: {  	_ =	swait.ge [sflag:s21], $0x800  }
0x3a: {  	[sflag:s21] =	ssyncset.done $0x0  }
0x3b: {  	[sflag:s21] =	ssyncadd.s32 $0xFFFFF800  }
0x3c: {  	[tilespmem:s23], [sflag:$0x1] =	stream.indirect.gather [hbm4b:s0+s22], $0x40, s28, s22, $0xb8;
	[tilespmem:$0xEA80] =	vst v63  }
0x3d: {  	_ =	swait.ge [sflag:s24], $0x2000  }
0x3e: {  	[sflag:s24] =	ssyncset.done $0x0  }
0x3f: {  	s31 =	simm.s32 $0x0;
	[sflag:s24] =	ssyncadd.s32 $0xFFFFE000  }
0x40: {  	v1 =	vld [tilespmem:s31+$0xA80]  }
0x41: {  	v2 =	vld [tilespmem:s31+$0xA90]  }
0x42: {  	v3 =	vld [tilespmem:s30+$0x0]  }
0x43: {  	v4 =	vld [tilespmem:s31+$0xAA0]  }
0x44: {  	v5 =	vld [tilespmem:s31+$0xAB0];
	_ =	sdelay $0x2  }
0x45: {  	v6 =	vunpack.i.u.bf16.f32 v1;
	v1 =	vunpack.i.l.bf16.f32 v1;
	v7 =	vunpack.i.u.bf16.f32 v2  }
0x46: {  	v2 =	vunpack.i.l.bf16.f32 v2;
	v1 =	vmul.f32 v1, v3;
	v6 =	vmul.f32 v6, v3  }
0x47: {  	v8 =	vunpack.i.u.bf16.f32 v4;
	v4 =	vunpack.i.l.bf16.f32 v4;
	v9 =	vunpack.i.u.bf16.f32 v5  }
0x48: {  	s1 =	simm.s32 $0x40;
	v2 =	vmul.f32 v2, v3;
	v7 =	vmul.f32 v7, v3;
	v6 =	vpack.i.f32.bf16 v6, v1  }
0x49: {  	v5 =	vunpack.i.l.bf16.f32 v5;
	v4 =	vmul.f32 v4, v3;
	v1 =	vld [tilespmem:s1+$0xA80];
	[tilespmem:s31+$0x2A80] =	vst v6;
	v6 =	vmul.f32 v8, v3  }
0x4a: {  	v5 =	vmul.f32 v5, v3;
	v63 =	vmul.f32 v9, v3;
	v7 =	vpack.i.f32.bf16 v7, v2  }
0x4b: {  	v2 =	vld [tilespmem:s1+$0xA90];
	[tilespmem:s31+$0x2A90] =	vst v7;
	v4 =	vpack.i.f32.bf16 v6, v4  }
0x4c: {  	s2 =	simm.s32 $0x200;
	v3 =	vld [tilespmem:s1+$0xAA0];
	[tilespmem:s31+$0x2AA0] =	vst v4;
	v4 =	vpack.i.f32.bf16 v63, v5  }
.LBB2_5:
0x4d: {  	p0 =	sne.s32 s2, $0x7F00;
	v5 =	vld [tilespmem:s1+$0xAB0];
	[tilespmem:s31+$0x2AB0] =	vst v4;
	s30 =	sadd.s32 $0x10, s30;
	s31 =	smov.u32 s1  }
0x4e: {  	v4 =	vld [tilespmem:s30+$0x0];
	_ =	sdelay $0x2  }
0x4f: {  	v6 =	vunpack.i.u.bf16.f32 v1;
	v1 =	vunpack.i.l.bf16.f32 v1;
	v7 =	vunpack.i.u.bf16.f32 v2  }
0x50: {  	v2 =	vunpack.i.l.bf16.f32 v2;
	v8 =	vunpack.i.u.bf16.f32 v3;
	v3 =	vunpack.i.l.bf16.f32 v3  }
0x51: {  	v9 =	vunpack.i.u.bf16.f32 v5;
	v1 =	vmul.f32 v1, v4;
	v6 =	vmul.f32 v6, v4  }
.Ltmp1:
0x52: {  	v5 =	vunpack.i.l.bf16.f32 v5;
	v2 =	vmul.f32 v2, v4;
	v7 =	vmul.f32 v7, v4;
	(pc) =	sbr.rel @p0 .LBB2_5-.Ltmp1, $4  }
0x53: {  	s1 =	sshra.s32 s2, $0x2;
	v3 =	vmul.f32 v3, v4;
	v8 =	vmul.f32 v8, v4;
	v6 =	vpack.i.f32.bf16 v6, v1  }
0x54: {  	v5 =	vmul.f32 v5, v4;
	v4 =	vmul.f32 v9, v4;
	v1 =	vld [tilespmem:s1+$0xA80];
	[tilespmem:s31+$0x2A80] =	vst v6;
	v6 =	vpack.i.f32.bf16 v7, v2  }
0x55: {  	v2 =	vld [tilespmem:s1+$0xA90];
	[tilespmem:s31+$0x2A90] =	vst v6;
	v6 =	vpack.i.f32.bf16 v8, v3  }
0x56: {  	s2 =	sadd.s32 $0x100, s2;
	v4 =	vpack.i.f32.bf16 v4, v5;
	v3 =	vld [tilespmem:s1+$0xAA0];
	[tilespmem:s31+$0x2AA0] =	vst v6  }
0x57: {  	v5 =	vld [tilespmem:s1+$0xAB0];
	[tilespmem:s31+$0x2AB0] =	vst v4;
	s2 =	sadd.s32 $0x10, s30  }
0x58: {  	v4 =	vld [tilespmem:s2+$0x0];
	_ =	sdelay $0x2  }
0x59: {  	v6 =	vunpack.i.u.bf16.f32 v1;
	v1 =	vunpack.i.l.bf16.f32 v1;
	v7 =	vunpack.i.u.bf16.f32 v2  }
0x5a: {  	v2 =	vunpack.i.l.bf16.f32 v2;
	v8 =	vunpack.i.u.bf16.f32 v3;
	v3 =	vunpack.i.l.bf16.f32 v3  }
0x5b: {  	v9 =	vunpack.i.u.bf16.f32 v5;
	v1 =	vmul.f32 v1, v4;
	v6 =	vmul.f32 v6, v4  }
0x5c: {  	v5 =	vunpack.i.l.bf16.f32 v5;
	v2 =	vmul.f32 v2, v4;
	v7 =	vmul.f32 v7, v4  }
0x5d: {  	v3 =	vmul.f32 v3, v4;
	v63 =	vmul.f32 v8, v4;
	v1 =	vpack.i.f32.bf16 v6, v1  }
0x5e: {  	[tilespmem:s1+$0x2A80] =	vst v1;
	v1 =	vpack.i.f32.bf16 v7, v2;
	v2 =	vmul.f32 v5, v4;
	v4 =	vmul.f32 v9, v4  }
0x5f: {  	s29 =	sadd.s32 $0x1, s29;
	[tilespmem:s1+$0x2A90] =	vst v1;
	v1 =	vpack.i.f32.bf16 v63, v3  }
0x60: {  	p0 =	sne.s32 s29, $0x4F;
	[tilespmem:s1+$0x2AA0] =	vst v1;
	v1 =	vpack.i.f32.bf16 v4, v2  }
.Ltmp2:
0x61: {  	[tilespmem:s1+$0x2AB0] =	vst v1;
	(pc) =	sbr.rel @p0 .LBB2_4-.Ltmp2, $4  }
0x62: {  	[spmem:s3] =	stream.indirect.scatter.add.bf16 [tilespmem:s20], [sflag:$0x2], $0x10, s22, s25, $0xb8;
	[tilespmem:$0xEA80] =	vst v63  }
0x63: {  	_ =	swait.ge [sflag:s21], $0x2000  }
0x64: {  	[sflag:s21] =	ssyncset.done $0x0  }
0x65: {  	[sflag:s21] =	ssyncadd.s32 $0xFFFFE000  }
0x66: {  	[bflag:$0x0] =	sbarrier.arrive $0xFFFF  }
0x67: {  	[tilespmem:s20], [sflag:$0x2] =	stream.linear.gather [spmem:s8], $0x2000, $0x38;
	[tilespmem:$0xEA80] =	vst v63  }
0x68: {  	_ =	swait.ge [sflag:s21], $0x2000  }
0x69: {  	[sflag:s21] =	ssyncset.done $0x0  }
0x6a: {  	s1 =	simm.s32 $0x0;
	[sflag:s21] =	ssyncadd.s32 $0xFFFFE000  }
0x6b: {  	v1 =	vld [tilespmem:s1+$0x2AB0]  }
0x6c: {  	v2 =	vld [tilespmem:s1+$0x2A80]  }
0x6d: {  	v3 =	vld [tilespmem:s1+$0x2A90]  }
0x6e: {  	s2 =	simm.s32 $0x100;
	v4 =	vld [tilespmem:s1+$0x2AA0]  }
.LBB2_8:
0x6f: {  	p0 =	sne.s32 s2, $0x7F00  }
.Ltmp3:
0x70: {  	s28 =	sshra.s32 s2, $0x2;
	s2 =	sadd.s32 $0x100, s2;
	[tilespmem:s1+$0xAB0] =	vst v1;
	(pc) =	sbr.rel @p0 .LBB2_8-.Ltmp3, $4  }
0x71: {  	v1 =	vld [tilespmem:s28+$0x2AB0];
	[tilespmem:s1+$0xA80] =	vst v2  }
0x72: {  	v2 =	vld [tilespmem:s28+$0x2A80];
	[tilespmem:s1+$0xA90] =	vst v3  }
0x73: {  	v3 =	vld [tilespmem:s28+$0x2A90];
	[tilespmem:s1+$0xAA0] =	vst v4;
	s1 =	smov.u32 s28  }
0x74: {  	v4 =	vld [tilespmem:s1+$0x2AA0]  }
0x75: {  	_ = 	snop  }
0x76: {  	[tilespmem:s1+$0xAB0] =	vst v1  }
0x77: {  	[tilespmem:s1+$0xA80] =	vst v2  }
0x78: {  	[tilespmem:s1+$0xA90] =	vst v3  }
0x79: {  	s31 =	simm.s32 $0x0;
	[tilespmem:s1+$0xAA0] =	vst v4  }
0x7a: {  	[hbm4b:s14+s31] =	stream.linear.scatter [tilespmem:s23], [sflag:$0x2], $0x2000, $0x38;
	[tilespmem:$0xEA80] =	vst v63  }
0x7b: {  	_ =	swait.ge [sflag:s21], $0x2000  }
0x7c: {  	[sflag:s21] =	ssyncset.done $0x0  }
0x7d: {  	[sflag:s21] =	ssyncadd.s32 $0xFFFFE000  }
0x7e: {  	[tilespmem:s20], [sflag:$0x2] =	stream.linear.gather [spmem:s10], $0x2000, $0x38;
	[tilespmem:$0xEA80] =	vst v63  }
0x7f: {  	_ =	swait.ge [sflag:s21], $0x2000  }
0x80: {  	[sflag:s21] =	ssyncset.done $0x0  }
0x81: {  	s1 =	simm.s32 $0x0;
	[sflag:s21] =	ssyncadd.s32 $0xFFFFE000  }
0x82: {  	v1 =	vld [tilespmem:s1+$0x2AB0]  }
0x83: {  	v2 =	vld [tilespmem:s1+$0x2A80]  }
0x84: {  	v3 =	vld [tilespmem:s1+$0x2A90]  }
0x85: {  	s2 =	simm.s32 $0x100;
	v4 =	vld [tilespmem:s1+$0x2AA0]  }
.LBB2_10:
0x86: {  	p0 =	sne.s32 s2, $0x7F00  }
.Ltmp4:
0x87: {  	s28 =	sshra.s32 s2, $0x2;
	s2 =	sadd.s32 $0x100, s2;
	[tilespmem:s1+$0xAB0] =	vst v1;
	(pc) =	sbr.rel @p0 .LBB2_10-.Ltmp4, $4  }
0x88: {  	v1 =	vld [tilespmem:s28+$0x2AB0];
	[tilespmem:s1+$0xA80] =	vst v2  }
0x89: {  	v2 =	vld [tilespmem:s28+$0x2A80];
	[tilespmem:s1+$0xA90] =	vst v3  }
0x8a: {  	v3 =	vld [tilespmem:s28+$0x2A90];
	[tilespmem:s1+$0xAA0] =	vst v4;
	s1 =	smov.u32 s28  }
0x8b: {  	v4 =	vld [tilespmem:s1+$0x2AA0]  }
0x8c: {  	_ = 	snop  }
0x8d: {  	[tilespmem:s1+$0xAB0] =	vst v1  }
0x8e: {  	[tilespmem:s1+$0xA80] =	vst v2  }
0x8f: {  	[tilespmem:s1+$0xA90] =	vst v3  }
0x90: {  	s31 =	simm.s32 $0x0;
	[tilespmem:s1+$0xAA0] =	vst v4  }
0x91: {  	[hbm4b:s15+s31] =	stream.linear.scatter [tilespmem:s23], [sflag:$0x2], $0x2000, $0x38;
	[tilespmem:$0xEA80] =	vst v63  }
0x92: {  	_ =	swait.ge [sflag:s21], $0x2000  }
0x93: {  	[sflag:s21] =	ssyncset.done $0x0  }
0x94: {  	[sflag:s21] =	ssyncadd.s32 $0xFFFFE000  }
0x95: {  	[tilespmem:s20], [sflag:$0x2] =	stream.linear.gather [spmem:s11], $0x2000, $0x38;
	[tilespmem:$0xEA80] =	vst v63  }
0x96: {  	_ =	swait.ge [sflag:s21], $0x2000  }
0x97: {  	[sflag:s21] =	ssyncset.done $0x0  }
0x98: {  	s1 =	simm.s32 $0x0;
	[sflag:s21] =	ssyncadd.s32 $0xFFFFE000  }
0x99: {  	v1 =	vld [tilespmem:s1+$0x2AB0]  }
0x9a: {  	v2 =	vld [tilespmem:s1+$0x2A80]  }
0x9b: {  	v3 =	vld [tilespmem:s1+$0x2A90]  }
0x9c: {  	s2 =	simm.s32 $0x100;
	v4 =	vld [tilespmem:s1+$0x2AA0]  }
.LBB2_12:
0x9d: {  	p0 =	sne.s32 s2, $0x7F00  }
.Ltmp5:
0x9e: {  	s28 =	sshra.s32 s2, $0x2;
	s2 =	sadd.s32 $0x100, s2;
	[tilespmem:s1+$0xAB0] =	vst v1;
	(pc) =	sbr.rel @p0 .LBB2_12-.Ltmp5, $4  }
0x9f: {  	v1 =	vld [tilespmem:s28+$0x2AB0];
	[tilespmem:s1+$0xA80] =	vst v2  }
0xa0: {  	v2 =	vld [tilespmem:s28+$0x2A80];
	[tilespmem:s1+$0xA90] =	vst v3  }
0xa1: {  	v3 =	vld [tilespmem:s28+$0x2A90];
	[tilespmem:s1+$0xAA0] =	vst v4;
	s1 =	smov.u32 s28  }
0xa2: {  	v4 =	vld [tilespmem:s1+$0x2AA0]  }
0xa3: {  	_ = 	snop  }
0xa4: {  	[tilespmem:s1+$0xAB0] =	vst v1  }
0xa5: {  	[tilespmem:s1+$0xA80] =	vst v2  }
0xa6: {  	[tilespmem:s1+$0xA90] =	vst v3  }
0xa7: {  	s31 =	simm.s32 $0x0;
	[tilespmem:s1+$0xAA0] =	vst v4  }
0xa8: {  	[hbm4b:s16+s31] =	stream.linear.scatter [tilespmem:s23], [sflag:$0x2], $0x2000, $0x38;
	[tilespmem:$0xEA80] =	vst v63  }
0xa9: {  	_ =	swait.ge [sflag:s21], $0x2000  }
0xaa: {  	[sflag:s21] =	ssyncset.done $0x0  }
0xab: {  	[sflag:s21] =	ssyncadd.s32 $0xFFFFE000  }
0xac: {  	[tilespmem:s20], [sflag:$0x2] =	stream.linear.gather [spmem:s12], $0x2000, $0x38;
	[tilespmem:$0xEA80] =	vst v63  }
0xad: {  	_ =	swait.ge [sflag:s21], $0x2000  }
0xae: {  	[sflag:s21] =	ssyncset.done $0x0  }
0xaf: {  	s1 =	simm.s32 $0x0;
	[sflag:s21] =	ssyncadd.s32 $0xFFFFE000  }
0xb0: {  	v1 =	vld [tilespmem:s1+$0x2AB0]  }
0xb1: {  	v2 =	vld [tilespmem:s1+$0x2A80]  }
0xb2: {  	v3 =	vld [tilespmem:s1+$0x2A90]  }
0xb3: {  	s2 =	simm.s32 $0x100;
	v4 =	vld [tilespmem:s1+$0x2AA0]  }
.LBB2_14:
0xb4: {  	p0 =	sne.s32 s2, $0x7F00  }
.Ltmp6:
0xb5: {  	s28 =	sshra.s32 s2, $0x2;
	s2 =	sadd.s32 $0x100, s2;
	[tilespmem:s1+$0xAB0] =	vst v1;
	(pc) =	sbr.rel @p0 .LBB2_14-.Ltmp6, $4  }
0xb6: {  	v1 =	vld [tilespmem:s28+$0x2AB0];
	[tilespmem:s1+$0xA80] =	vst v2  }
0xb7: {  	v2 =	vld [tilespmem:s28+$0x2A80];
	[tilespmem:s1+$0xA90] =	vst v3  }
0xb8: {  	v3 =	vld [tilespmem:s28+$0x2A90];
	[tilespmem:s1+$0xAA0] =	vst v4;
	s1 =	smov.u32 s28  }
0xb9: {  	v4 =	vld [tilespmem:s1+$0x2AA0]  }
0xba: {  	_ = 	snop  }
0xbb: {  	[tilespmem:s1+$0xAB0] =	vst v1  }
0xbc: {  	[tilespmem:s1+$0xA80] =	vst v2  }
0xbd: {  	[tilespmem:s1+$0xA90] =	vst v3  }
0xbe: {  	s31 =	simm.s32 $0x0;
	[tilespmem:s1+$0xAA0] =	vst v4  }
0xbf: {  	[hbm4b:s17+s31] =	stream.linear.scatter [tilespmem:s23], [sflag:$0x2], $0x2000, $0x38;
	[tilespmem:$0xEA80] =	vst v63  }
0xc0: {  	_ =	swait.ge [sflag:s21], $0x2000  }
0xc1: {  	[sflag:s21] =	ssyncset.done $0x0  }
0xc2: {  	[sflag:s21] =	ssyncadd.s32 $0xFFFFE000  }
0xc3: {  	[tilespmem:s20], [sflag:$0x2] =	stream.linear.gather [spmem:s13], $0x2000, $0x38;
	[tilespmem:$0xEA80] =	vst v63  }
0xc4: {  	_ =	swait.ge [sflag:s21], $0x2000  }
0xc5: {  	[sflag:s21] =	ssyncset.done $0x0  }
0xc6: {  	s1 =	simm.s32 $0x0;
	[sflag:s21] =	ssyncadd.s32 $0xFFFFE000  }
0xc7: {  	v1 =	vld [tilespmem:s1+$0x2AB0]  }
0xc8: {  	v2 =	vld [tilespmem:s1+$0x2A80]  }
0xc9: {  	v3 =	vld [tilespmem:s1+$0x2A90]  }
0xca: {  	s2 =	simm.s32 $0x100;
	v4 =	vld [tilespmem:s1+$0x2AA0]  }
.LBB2_16:
0xcb: {  	p0 =	sne.s32 s2, $0x7F00  }
.Ltmp7:
0xcc: {  	s28 =	sshra.s32 s2, $0x2;
	s2 =	sadd.s32 $0x100, s2;
	[tilespmem:s1+$0xAB0] =	vst v1;
	(pc) =	sbr.rel @p0 .LBB2_16-.Ltmp7, $4  }
0xcd: {  	v1 =	vld [tilespmem:s28+$0x2AB0];
	[tilespmem:s1+$0xA80] =	vst v2  }
0xce: {  	v2 =	vld [tilespmem:s28+$0x2A80];
	[tilespmem:s1+$0xA90] =	vst v3  }
0xcf: {  	v3 =	vld [tilespmem:s28+$0x2A90];
	[tilespmem:s1+$0xAA0] =	vst v4;
	s1 =	smov.u32 s28  }
0xd0: {  	v4 =	vld [tilespmem:s1+$0x2AA0]  }
0xd1: {  	_ = 	snop  }
0xd2: {  	[tilespmem:s1+$0xAB0] =	vst v1  }
0xd3: {  	s26 =	sadd.s32 $0x1, s26;
	[tilespmem:s1+$0xA80] =	vst v2  }
0xd4: {  	p0 =	sne.s32 s26, s19;
	[tilespmem:s1+$0xA90] =	vst v3  }
.Ltmp8:
0xd5: {  	[tilespmem:s1+$0xAA0] =	vst v4;
	(pc) =	sbr.rel @p0 .LBB2_1-.Ltmp8, $4  }
0xd6: {  	[hbm4b:s18+s4] =	stream.linear.scatter [tilespmem:s23], [sflag:$0x2], $0x2000, $0x38;
	[tilespmem:$0xEA80] =	vst v63  }
0xd7: {  	_ =	swait.ge [sflag:s21], $0x2000  }
0xd8: {  	[sflag:s21] =	ssyncset.done $0x0  }
0xd9: {  	[sflag:s21] =	ssyncadd.s32 $0xFFFFE000  }
0xda: {  	_ =	sfence.sel $0x180000  }
0xdb: {  	[bflag:$0x0] =	sbarrier.arrive $0xFFFF  }
0xdc: {  	_ =	strace $0x90000047  }
0xdd: {  	s0 =	stileid.u32;
	[bflag:$0x2] =	sbarrier.arrive $0xFFFF  }
0xde: {  	p0 =	sne.s32 s0, $0x0;
	s0 =	rddreg [dreg:$0x3]  }
0xdf: {  	s0 =	sadd.s32 @!p0 $0x100000, s0  }
0xe0: {  	[sflag:s0] =	ssyncadd.tile.s32 @!p0 $0x1;
	_ =	shalt  }
.Lfunc_end2:
_tile_overlayer_lowered:
.L_overlay_start_2:
0xe1: {  	(tag) =	ssettag $0x2  }
0xe2: {  	s0 =	rddreg [dreg:$0x0];
	s2 =	stileid.u32  }
0xe3: {  	s1 =	rddreg [dreg:$0x1];
	p0 =	sne.s32 s2, $0x0  }
0xe4: {  	s3 =	rddreg [dreg:$0x2];
	[bflag:$0x3] =	sbarrier.arrive $0xFFFF;
	s2 =	simm.s32 @!p0 $0x1C02  }
0xe5: {  	[timem:s3], [sflag:s2] =	dma.local @!p0 [hbm:s0], s1  }
0xe6: {  	s0 =	simm.s32 @!p0 $0x2  }
0xe7: {  	_ =	swait.ge @!p0 [sflag:s0], s1  }
0xe8: {  	s1 =	ssub.s32 @!p0 $0x0, s1;
	[sflag:s0] =	ssyncset.done @!p0 $0x0  }
0xe9: {  	[sflag:s0] =	ssyncadd.s32 @!p0 s1  }
0xea: {  	[bflag:$0x3] =	sbarrier.arrive $0xFFFF  }
0xeb: {  	_ =	shalt  }

</sc_bundles>
